<compile_context>
chip_gen: v7x
topology: tpu7x:2x2x1
jax: 0.10.2.dev20260603
libtpu: 0.0.44.dev20260713+nightly
codegen_flags: <defaults>
</compile_context>

<pallas_src>
import jax
import jax.numpy as jnp
from jax import lax
from jax.experimental import pallas as pl
from jax.experimental.pallas import tpu as pltpu
from jax.experimental.pallas import tpu_sc as plsc

K = 1024
D = 64
BETA = 0.25
N = 32 * 32 * 32
ROWS = 1024
STEPS = N // ROWS

SC_CORES = 2
SC_SUBCORES = 16
SC_WORKERS = SC_CORES * SC_SUBCORES
ROWS_PER_W = N // SC_WORKERS


def _vq_tc_kernel(zt_ref, emb_ref, embm2_ref, idx_ref, scal_ref, mind_acc):
    b = pl.program_id(0)

    @pl.when(b == 0)
    def _init():
        mind_acc[...] = jnp.zeros_like(mind_acc)

    zt = zt_ref[0]
    emb = emb_ref[...]

    z2 = jnp.sum(zt * zt, axis=0, keepdims=True)
    sqe = emb * emb
    e2b = jax.lax.dot_general(sqe, jnp.ones((D, 128), jnp.float32),
                              (((1,), (0,)), ((), ())),
                              preferred_element_type=jnp.float32)
    e2col = e2b[:, 0:1]
    cm = jax.lax.dot_general(embm2_ref[...], zt, (((1,), (0,)), ((), ())),
                             preferred_element_type=jnp.float32)

    minval = (e2col[0:8] + z2) + cm[0:8, :]
    firstr = jnp.zeros((8, ROWS), jnp.int32)
    for r in range(1, K // 8):
        dg = (e2col[r * 8:(r + 1) * 8] + z2) + cm[r * 8:(r + 1) * 8, :]
        upd = dg < minval
        minval = jnp.where(upd, dg, minval)
        firstr = jnp.where(upd, r, firstr)

    colmin = jnp.min(minval, axis=0, keepdims=True)
    sio = jax.lax.broadcasted_iota(jnp.int32, (8, ROWS), 0)
    key = jnp.where(minval == colmin, firstr * 8 + sio, K)
    idx = jnp.min(key, axis=0, keepdims=True)
    idx_ref[0, 0] = idx[0]
    mind_acc[...] = mind_acc[...] + colmin

    @pl.when(b == STEPS - 1)
    def _finish():
        avg_dist2 = jnp.sum(mind_acc[...]) / jnp.float32(N)
        lane8 = jax.lax.broadcasted_iota(jnp.int32, (1, 8), 1)
        scal_ref[...] = jnp.where(lane8 == 0, (1.0 + BETA) * avg_dist2,
                        jnp.where(lane8 == 4, avg_dist2, 0.0))


def _sc_gather_body(emb_hbm, idx_hbm, zq_hbm, hist_hbm, idx_v, rows_v,
                    hist_v, sem):
    wid = lax.axis_index("s") * SC_CORES + lax.axis_index("c")
    base = wid * ROWS_PER_W
    pltpu.sync_copy(idx_hbm.at[pl.ds(base, ROWS_PER_W)], idx_v)
    gather = pltpu.async_copy(emb_hbm.at[idx_v], rows_v, sem)

    def zloop(j, _):
        hist_v[pl.ds(j * 16, 16)] = jnp.zeros((16,), jnp.float32)
        return 0

    lax.fori_loop(0, K // 16, zloop, 0)
    ones = jnp.ones((16,), jnp.float32)

    def hloop(j, _):
        ids = idx_v[pl.ds(j * 16, 16)]
        plsc.addupdate_scatter(hist_v, [ids], ones)
        return 0

    lax.fori_loop(0, ROWS_PER_W // 16, hloop, 0)
    pltpu.sync_copy(hist_v, hist_hbm.at[wid])
    gather.wait()
    pltpu.sync_copy(rows_v, zq_hbm.at[pl.ds(base, ROWS_PER_W)])


_sc_gather = pl.kernel(
    _sc_gather_body,
    out_type=(jax.ShapeDtypeStruct((N, D), jnp.float32),
              jax.ShapeDtypeStruct((SC_WORKERS, K), jnp.float32)),
    mesh=plsc.VectorSubcoreMesh(core_axis_name="c", subcore_axis_name="s"),
    scratch_types=[
        pltpu.VMEM((ROWS_PER_W,), jnp.int32),
        pltpu.VMEM((ROWS_PER_W, D), jnp.float32),
        pltpu.VMEM((K,), jnp.float32),
        pltpu.SemaphoreType.DMA,
    ],
    compiler_params=pltpu.CompilerParams(use_tc_tiling_on_sc=False,
                                         needs_layout_passes=False),
)


def _fin_kernel(hist_ref, scala_ref, out_ref):
    counts = jnp.sum(hist_ref[...], axis=0, keepdims=True)
    total = jnp.float32(N)
    probs = counts / total
    plogp = jnp.where(probs > 0.0, probs * jnp.log(
        jnp.where(probs > 0.0, probs, 1.0)), 0.0)
    h_ent = -jnp.sum(plogp)
    perplexity = jnp.exp(h_ent)
    codes_used = jnp.sum((counts > 0.0).astype(jnp.float32))
    lane8 = jax.lax.broadcasted_iota(jnp.int32, (1, 8), 1)
    out_ref[...] = jnp.where(lane8 == 1, perplexity,
                   jnp.where(lane8 == 2, codes_used,
                   jnp.where(lane8 == 3, codes_used / jnp.float32(K),
                             scala_ref[...])))


@jax.jit
def _vq(zt, emb, embm2):
    grid = (STEPS,)
    idx_out, scal_a = pl.pallas_call(
        _vq_tc_kernel,
        grid=grid,
        in_specs=[
            pl.BlockSpec((1, D, ROWS), lambda b: (b, 0, 0)),
            pl.BlockSpec((K, D), lambda b: (0, 0)),
            pl.BlockSpec((K, D), lambda b: (0, 0)),
        ],
        out_specs=[
            pl.BlockSpec((1, 1, ROWS), lambda b: (b, 0, 0)),
            pl.BlockSpec((1, 8), lambda b: (0, 0)),
        ],
        out_shape=[
            jax.ShapeDtypeStruct((STEPS, 1, ROWS), jnp.int32),
            jax.ShapeDtypeStruct((1, 8), jnp.float32),
        ],
        scratch_shapes=[
            pltpu.VMEM((1, ROWS), jnp.float32),
        ],
    )(zt, emb, embm2)
    zq_rows, hist = _sc_gather(emb, idx_out.reshape(N))
    scal = pl.pallas_call(
        _fin_kernel,
        out_shape=jax.ShapeDtypeStruct((1, 8), jnp.float32),
    )(hist, scal_a)
    return idx_out, zq_rows, scal


def kernel(z_e, emb):
    B, Dd, H, W = z_e.shape
    zt = z_e.reshape(B, Dd, H * W)
    idx_out, zq_rows, scal = _vq(zt, emb, -2.0 * emb)
    indices = idx_out.reshape(B, H, W)
    z_q_st = zq_rows.reshape(B, H, W, Dd).transpose(0, 3, 1, 2)
    loss_vq = scal[0, 0]
    perplexity = scal[0, 1]
    codes_used = scal[0, 2].astype(jnp.int32)
    usage_ratio = scal[0, 3]
    avg_dist2 = scal[0, 4]
    return (z_q_st, loss_vq, perplexity, codes_used, usage_ratio,
            avg_dist2, indices)

# --- scband reference (transcript-rebuilt; emitter-appended) ---
"""Pipeline reference for scband-vector-quantizer-87351044866331 (READ-ONLY COPY).

The authoritative reference and input builder live on the scoring server;
editing this copy changes nothing except your own understanding.
"""

import jax, jax.numpy as jnp
import numpy as np

K = 1024
D = 64
BETA = 0.25

def setup_inputs(seed: int = 0) -> dict:
    key = jax.random.key(seed)
    k1, k2 = jax.random.split(key)
    z_e = jax.random.normal(k1, (32, 64, 32, 32), dtype=jnp.float32)
    emb = jax.random.uniform(k2, (K, D), dtype=jnp.float32, minval=-1.0 / K, maxval=1.0 / K)
    return {"z_e": z_e, "emb": emb}

def reference(z_e, emb):
    B, Dd, H, W = z_e.shape
    z = jnp.transpose(z_e, (0, 2, 3, 1)).reshape(-1, Dd)
    e = emb
    dist = jnp.sum(z ** 2, axis=1, keepdims=True) + jnp.sum(e ** 2, axis=1)[None, :] - 2.0 * (z @ e.T)
    indices = jnp.argmin(dist, axis=1)
    z_q = jnp.take(e, indices, axis=0).reshape(B, H, W, Dd).transpose(0, 3, 1, 2)
    loss_codebook = jnp.mean((z_q - jax.lax.stop_gradient(z_e)) ** 2) * Dd
    loss_commit = jnp.mean((z_e - jax.lax.stop_gradient(z_q)) ** 2) * Dd
    loss_vq = loss_codebook + BETA * loss_commit
    z_q_st = z_e + jax.lax.stop_gradient(z_q - z_e)
    counts = jnp.bincount(indices, length=K)
    total = jnp.maximum(1, counts.sum()).astype(jnp.float32)
    probs = counts.astype(jnp.float32) / total
    safe_p = jnp.where(probs > 0, probs, 1.0)
    H_ent = -jnp.sum(jnp.where(probs > 0, probs * jnp.log(safe_p), 0.0))
    perplexity = jnp.exp(H_ent)
    codes_used = jnp.sum(counts > 0)
    usage_ratio = codes_used.astype(jnp.float32) / K
    avg_dist2 = jnp.mean(jnp.min(dist, axis=1))
    return (z_q_st, loss_vq, perplexity, codes_used, usage_ratio, avg_dist2, indices.reshape(B, H, W))

if __name__ == "__main__":
    import jax
    _d = setup_inputs()
    print(jax.jit(kernel)(*tuple(_d.values())))

</pallas_src>

<mosaic_0001>
#map = affine_map<(d0, d1) -> (0, 0)>
#map1 = affine_map<(d0, d1) -> (0)>
module attributes {stable_mosaic.version = 14 : i64} {
  func.func @_sc_gather_body(%arg0: i32, %arg1: i32, %arg2: memref<1024x64xf32, #tpu.memory_space<hbm>>, %arg3: memref<32768xi32, #tpu.memory_space<hbm>>, %arg4: memref<32768x64xf32, #tpu.memory_space<hbm>>, %arg5: memref<32x1024xf32, #tpu.memory_space<hbm>>, %arg6: memref<1024xi32, #tpu.memory_space<vmem>>, %arg7: memref<1024x64xf32, #tpu.memory_space<vmem>>, %arg8: memref<1024xf32, #tpu.memory_space<vmem>>, %arg9: memref<!tpu.dma_semaphore, #tpu.memory_space<semaphore_mem>>) attributes {dimension_semantics = [#tpu.dimension_semantics<core_parallel>, #tpu.dimension_semantics<subcore_parallel>], iteration_bounds = array<i64: 2, 16>, scalar_prefetch = 0 : i64, scratch_operands = 4 : i64, tpu.core_type = #tpu.core_type<sc_vector_subcore>, window_params = [{transform_indices = #map}, {transform_indices = #map1}, {transform_indices = #map}, {transform_indices = #map}]} {
    %mul3A = arith.constant 2 : i32
    %mul3A_0 = arith.muli %arg1, %mul3A : i32
    %add3A = arith.addi %mul3A_0, %arg0 : i32
    %mul3A_1 = arith.constant 1024 : i32
    %mul3A_2 = arith.muli %add3A, %mul3A_1 : i32
    "tpu.region"() ({
      %run_scoped3A = tpu.sem_alloc : memref<!tpu.dma_semaphore, #tpu.memory_space<semaphore_mem>>
      %dma_start3A_21 = tpu.memref_slice %arg3[%mul3A_2] : memref<32768xi32, #tpu.memory_space<hbm>> -> memref<1024xi32, #tpu.memory_space<hbm>>
      %dma_start3A_22 = tpu.memref_slice %arg3[%mul3A_2] : memref<32768xi32, #tpu.memory_space<hbm>> -> memref<1024xi32, #tpu.memory_space<hbm>>
      tpu.enqueue_dma source(%dma_start3A_22 : memref<1024xi32, #tpu.memory_space<hbm>>) target(%arg6 : memref<1024xi32, #tpu.memory_space<vmem>>) target_semaphore(%run_scoped3A : memref<!tpu.dma_semaphore, #tpu.memory_space<semaphore_mem>>)
      %dma_wait3A_23 = tpu.memref_slice %arg3[%mul3A_2] : memref<32768xi32, #tpu.memory_space<hbm>> -> memref<1024xi32, #tpu.memory_space<hbm>>
      %dma_wait3A_24 = tpu.memref_slice %arg3[%mul3A_2] : memref<32768xi32, #tpu.memory_space<hbm>> -> memref<1024xi32, #tpu.memory_space<hbm>>
      tpu.wait_dma2 semaphore(%run_scoped3A : memref<!tpu.dma_semaphore, #tpu.memory_space<semaphore_mem>>) src(%dma_wait3A_24 : memref<1024xi32, #tpu.memory_space<hbm>>) dst(%arg6 : memref<1024xi32, #tpu.memory_space<vmem>>)
      tpu.yield
    }) : () -> ()
    %dma_start3A = arith.constant 0 : i32
    %dma_start3A_3 = arith.constant 0 : i32
    %dma_start3A_4 = tpu.memref_slice %arg2[%dma_start3A, %dma_start3A_3] : memref<1024x64xf32, #tpu.memory_space<hbm>> -> memref<1024x64xf32, #tpu.memory_space<hbm>>
    tpu.enqueue_indirect_dma source(%dma_start3A_4 : memref<1024x64xf32, #tpu.memory_space<hbm>>) target(%arg7 : memref<1024x64xf32, #tpu.memory_space<vmem>>) offsets(%arg6 : memref<1024xi32, #tpu.memory_space<vmem>>) semaphore(%arg9 : memref<!tpu.dma_semaphore, #tpu.memory_space<semaphore_mem>>)
    %scan3A = arith.constant 0 : i32
    %scan3A_5 = arith.constant 0 : i32
    %scan3A_6 = arith.constant 64 : i32
    %scan3A_7 = arith.addi %scan3A_5, %scan3A_6 : i32
    %scan3A_8 = arith.constant 1 : i32
    %scan3A_9 = scf.for %scan3A_21 = %scan3A_5 to %scan3A_7 step %scan3A_8 iter_args(%scan3A_22 = %scan3A) -> (i32)  : i32 {
      %broadcast_in_dim3A_23 = arith.constant 0.000000e+00 : f32
      %broadcast_in_dim3A_24 = vector.broadcast %broadcast_in_dim3A_23 : f32 to vector<16xf32>
      %mul3A_25 = arith.constant 16 : i32
      %mul3A_26 = arith.muli %scan3A_21, %mul3A_25 : i32
      %swap3A = arith.index_cast %mul3A_26 : i32 to index
      %swap3A_27 = tpu.vector_load %arg8[%swap3A] {strides = array<i32>} : memref<1024xf32, #tpu.memory_space<vmem>>, vector<16xf32>,
      tpu.vector_store %arg8[%swap3A], %broadcast_in_dim3A_24 {strides = array<i32>} : memref<1024xf32, #tpu.memory_space<vmem>>, vector<16xf32>,
      %scan3A_28 = arith.constant 0 : i32
      scf.yield %scan3A_28 : i32
    }
    %scan3A_10 = arith.constant 64 : i32
    %broadcast_in_dim3A = arith.constant 1.000000e+00 : f32
    %broadcast_in_dim3A_11 = vector.broadcast %broadcast_in_dim3A : f32 to vector<16xf32>
    %scan3A_12 = arith.constant 0 : i32
    %scan3A_13 = arith.constant 0 : i32
    %scan3A_14 = arith.constant 64 : i32
    %scan3A_15 = arith.addi %scan3A_13, %scan3A_14 : i32
    %scan3A_16 = arith.constant 1 : i32
    %scan3A_17 = scf.for %scan3A_21 = %scan3A_13 to %scan3A_15 step %scan3A_16 iter_args(%scan3A_22 = %scan3A_12) -> (i32)  : i32 {
      %mul3A_23 = arith.constant 16 : i32
      %mul3A_24 = arith.muli %scan3A_21, %mul3A_23 : i32
      %get3A = arith.index_cast %mul3A_24 : i32 to index
      %get3A_25 = tpu.vector_load %arg6[%get3A] {strides = array<i32>} : memref<1024xi32, #tpu.memory_space<vmem>>, vector<16xi32>,
      tpu.vector_store_idx %arg8[%get3A_25], %broadcast_in_dim3A_11 {add = true} : memref<1024xf32, #tpu.memory_space<vmem>>[vector<16xi32>], vector<16xf32>,
      %scan3A_26 = arith.constant 0 : i32
      scf.yield %scan3A_26 : i32
    }
    %scan3A_18 = arith.constant 64 : i32
    "tpu.region"() ({
      %run_scoped3A = tpu.sem_alloc : memref<!tpu.dma_semaphore, #tpu.memory_space<semaphore_mem>>
      %dma_start3A_21 = arith.constant 0 : i32
      %dma_start3A_22 = tpu.memref_slice %arg5[%add3A, %dma_start3A_21] : memref<32x1024xf32, #tpu.memory_space<hbm>> -> memref<1x1024xf32, #tpu.memory_space<hbm>>
      %dma_start3A_23 = tpu.memref_squeeze %dma_start3A_22 : memref<1x1024xf32, #tpu.memory_space<hbm>> -> memref<1024xf32, #tpu.memory_space<hbm>>
      %dma_start3A_24 = arith.constant 0 : i32
      %dma_start3A_25 = tpu.memref_slice %arg5[%add3A, %dma_start3A_24] : memref<32x1024xf32, #tpu.memory_space<hbm>> -> memref<1x1024xf32, #tpu.memory_space<hbm>>
      %dma_start3A_26 = tpu.memref_squeeze %dma_start3A_25 : memref<1x1024xf32, #tpu.memory_space<hbm>> -> memref<1024xf32, #tpu.memory_space<hbm>>
      tpu.enqueue_dma source(%arg8 : memref<1024xf32, #tpu.memory_space<vmem>>) target(%dma_start3A_26 : memref<1024xf32, #tpu.memory_space<hbm>>) target_semaphore(%run_scoped3A : memref<!tpu.dma_semaphore, #tpu.memory_space<semaphore_mem>>)
      %dma_wait3A_27 = arith.constant 0 : i32
      %dma_wait3A_28 = tpu.memref_slice %arg5[%add3A, %dma_wait3A_27] : memref<32x1024xf32, #tpu.memory_space<hbm>> -> memref<1x1024xf32, #tpu.memory_space<hbm>>
      %dma_wait3A_29 = tpu.memref_squeeze %dma_wait3A_28 : memref<1x1024xf32, #tpu.memory_space<hbm>> -> memref<1024xf32, #tpu.memory_space<hbm>>
      %dma_wait3A_30 = arith.constant 0 : i32
      %dma_wait3A_31 = tpu.memref_slice %arg5[%add3A, %dma_wait3A_30] : memref<32x1024xf32, #tpu.memory_space<hbm>> -> memref<1x1024xf32, #tpu.memory_space<hbm>>
      %dma_wait3A_32 = tpu.memref_squeeze %dma_wait3A_31 : memref<1x1024xf32, #tpu.memory_space<hbm>> -> memref<1024xf32, #tpu.memory_space<hbm>>
      tpu.wait_dma2 semaphore(%run_scoped3A : memref<!tpu.dma_semaphore, #tpu.memory_space<semaphore_mem>>) src(%arg8 : memref<1024xf32, #tpu.memory_space<vmem>>) dst(%dma_wait3A_32 : memref<1024xf32, #tpu.memory_space<hbm>>)
      tpu.yield
    }) : () -> ()
    %dma_wait3A = arith.constant 0 : i32
    %dma_wait3A_19 = arith.constant 0 : i32
    %dma_wait3A_20 = tpu.memref_slice %arg2[%dma_wait3A, %dma_wait3A_19] : memref<1024x64xf32, #tpu.memory_space<hbm>> -> memref<1024x64xf32, #tpu.memory_space<hbm>>
    tpu.wait_indirect_dma semaphore(%arg9 : memref<!tpu.dma_semaphore, #tpu.memory_space<semaphore_mem>>) src(%dma_wait3A_20 : memref<1024x64xf32, #tpu.memory_space<hbm>>) dst(%arg7 : memref<1024x64xf32, #tpu.memory_space<vmem>>)
    "tpu.region"() ({
      %run_scoped3A = tpu.sem_alloc : memref<!tpu.dma_semaphore, #tpu.memory_space<semaphore_mem>>
      %dma_start3A_21 = arith.constant 0 : i32
      %dma_start3A_22 = tpu.memref_slice %arg4[%mul3A_2, %dma_start3A_21] : memref<32768x64xf32, #tpu.memory_space<hbm>> -> memref<1024x64xf32, #tpu.memory_space<hbm>>
      %dma_start3A_23 = arith.constant 0 : i32
      %dma_start3A_24 = tpu.memref_slice %arg4[%mul3A_2, %dma_start3A_23] : memref<32768x64xf32, #tpu.memory_space<hbm>> -> memref<1024x64xf32, #tpu.memory_space<hbm>>
      tpu.enqueue_dma source(%arg7 : memref<1024x64xf32, #tpu.memory_space<vmem>>) target(%dma_start3A_24 : memref<1024x64xf32, #tpu.memory_space<hbm>>) target_semaphore(%run_scoped3A : memref<!tpu.dma_semaphore, #tpu.memory_space<semaphore_mem>>)
      %dma_wait3A_25 = arith.constant 0 : i32
      %dma_wait3A_26 = tpu.memref_slice %arg4[%mul3A_2, %dma_wait3A_25] : memref<32768x64xf32, #tpu.memory_space<hbm>> -> memref<1024x64xf32, #tpu.memory_space<hbm>>
      %dma_wait3A_27 = arith.constant 0 : i32
      %dma_wait3A_28 = tpu.memref_slice %arg4[%mul3A_2, %dma_wait3A_27] : memref<32768x64xf32, #tpu.memory_space<hbm>> -> memref<1024x64xf32, #tpu.memory_space<hbm>>
      tpu.wait_dma2 semaphore(%run_scoped3A : memref<!tpu.dma_semaphore, #tpu.memory_space<semaphore_mem>>) src(%arg7 : memref<1024x64xf32, #tpu.memory_space<vmem>>) dst(%dma_wait3A_28 : memref<1024x64xf32, #tpu.memory_space<hbm>>)
      tpu.yield
    }) : () -> ()
    return
  }
}

module attributes {stable_mosaic.version = 14 : i64} {
  func.func @_vq_tc_kernel(%arg0: i32, %arg1: memref<1x64x1024xf32, #tpu.memory_space<vmem>>, %arg2: memref<1024x64xf32, #tpu.memory_space<vmem>>, %arg3: memref<1024x64xf32, #tpu.memory_space<vmem>>, %arg4: memref<1x1x1024xi32, #tpu.memory_space<vmem>>, %arg5: memref<1x8xf32, #tpu.memory_space<vmem>>, %arg6: memref<1x1024xf32, #tpu.memory_space<vmem>>) attributes {dimension_semantics = [#tpu.dimension_semantics<arbitrary>], iteration_bounds = array<i64: 32>, scalar_prefetch = 0 : i64, scratch_operands = 1 : i64, tpu.core_type = #tpu.core_type<tc>, window_params = [{transform_indices = @transform_0, window_bounds = array<i64: 1, 64, 1024>}, {pipeline_mode = #tpu.pipeline_mode<synchronous>, transform_indices = @transform_1, window_bounds = array<i64: 1024, 64>}, {pipeline_mode = #tpu.pipeline_mode<synchronous>, transform_indices = @transform_2, window_bounds = array<i64: 1024, 64>}, {transform_indices = @transform_3, window_bounds = array<i64: 1, 1, 1024>}, {pipeline_mode = #tpu.pipeline_mode<synchronous>, transform_indices = @transform_4, window_bounds = array<i64: 1, 8>}]} {
    %eq3A = arith.constant 0 : i32
    %eq3A_0 = arith.cmpi eq, %arg0, %eq3A : i32
    %convert_element_type3A = arith.extui %eq3A_0 : i1 to i32
    %cond3A = arith.constant 0 : i32
    %cond3A_1 = arith.cmpi ne, %convert_element_type3A, %cond3A : i32
    scf.if %cond3A_1 {
      %broadcast_in_dim3A_1451 = arith.constant 0.000000e+00 : f32
      %broadcast_in_dim3A_1452 = vector.broadcast %broadcast_in_dim3A_1451 : f32 to vector<1x1024xf32>
      %swap3A_1453 = arith.constant 0 : index
      %swap3A_1454 = arith.constant 0 : index
      %swap3A_1455 = vector.load %arg6[%swap3A_1453, %swap3A_1454] : memref<1x1024xf32, #tpu.memory_space<vmem>>, vector<1x1024xf32>
      tpu.vector_store %arg6[%swap3A_1453, %swap3A_1454], %broadcast_in_dim3A_1452 {strides = array<i32>} : memref<1x1024xf32, #tpu.memory_space<vmem>>, vector<1x1024xf32>,
    } else {
    }
    %get3A = arith.constant 0 : index
    %get3A_2 = arith.constant 0 : index
    %get3A_3 = arith.constant 0 : index
    %get3A_4 = vector.load %arg1[%get3A, %get3A_2, %get3A_3] : memref<1x64x1024xf32, #tpu.memory_space<vmem>>, vector<1x64x1024xf32>
    %get3A_5 = vector.shape_cast %get3A_4 : vector<1x64x1024xf32> to vector<64x1024xf32>
    %get3A_6 = arith.constant 0 : index
    %get3A_7 = arith.constant 0 : index
    %get3A_8 = vector.load %arg2[%get3A_6, %get3A_7] : memref<1024x64xf32, #tpu.memory_space<vmem>>, vector<1024x64xf32>
    %mul3A = arith.mulf %get3A_5, %get3A_5 : vector<64x1024xf32>
    %reduce_sum3A = arith.constant dense<0.000000e+00> : vector<1024xf32>
    %reduce_sum3A_9 = vector.multi_reduction <add>, %mul3A, %reduce_sum3A [0] : vector<64x1024xf32> to vector<1024xf32>
    %broadcast_in_dim3A = vector.shape_cast %reduce_sum3A_9 : vector<1024xf32> to vector<1x1024xf32>
    %mul3A_10 = arith.mulf %get3A_8, %get3A_8 : vector<1024x64xf32>
    %broadcast_in_dim3A_11 = arith.constant 1.000000e+00 : f32
    %broadcast_in_dim3A_12 = vector.broadcast %broadcast_in_dim3A_11 : f32 to vector<64x128xf32>
    %dot_general3A = arith.constant dense<0.000000e+00> : vector<1024x128xf32>
    %dot_general3A_13 = tpu.matmul %mul3A_10, %broadcast_in_dim3A_12, %dot_general3A {dimension_numbers = #tpu.dot_dimension_numbers<[1], [0], [0], [1], [0, 0, 1, 1], [], []>, transpose_lhs_hint = false} : vector<1024x64xf32>, vector<64x128xf32>, vector<1024x128xf32> -> vector<1024x128xf32>
    %slice3A = vector.extract_strided_slice %dot_general3A_13 {offsets = [0, 0], sizes = [1024, 1], strides = [1, 1]} : vector<1024x128xf32> to vector<1024x1xf32>
    %get3A_14 = arith.constant 0 : index
    %get3A_15 = arith.constant 0 : index
    %get3A_16 = vector.load %arg3[%get3A_14, %get3A_15] : memref<1024x64xf32, #tpu.memory_space<vmem>>, vector<1024x64xf32>
    %dot_general3A_17 = arith.constant dense<0.000000e+00> : vector<1024x1024xf32>
    %dot_general3A_18 = tpu.matmul %get3A_16, %get3A_5, %dot_general3A_17 {dimension_numbers = #tpu.dot_dimension_numbers<[1], [0], [0], [1], [0, 0, 1, 1], [], []>, transpose_lhs_hint = false} : vector<1024x64xf32>, vector<64x1024xf32>, vector<1024x1024xf32> -> vector<1024x1024xf32>
    %slice3A_19 = vector.extract_strided_slice %slice3A {offsets = [0, 0], sizes = [8, 1], strides = [1, 1]} : vector<1024x1xf32> to vector<8x1xf32>
    %add3A = vector.broadcast %slice3A_19 : vector<8x1xf32> to vector<8x1024xf32>
    %add3A_20 = vector.broadcast %broadcast_in_dim3A : vector<1x1024xf32> to vector<8x1024xf32>
    %add3A_21 = arith.addf %add3A, %add3A_20 : vector<8x1024xf32>
    %slice3A_22 = vector.extract_strided_slice %dot_general3A_18 {offsets = [0, 0], sizes = [8, 1024], strides = [1, 1]} : vector<1024x1024xf32> to vector<8x1024xf32>
    %add3A_23 = arith.addf %add3A_21, %slice3A_22 : vector<8x1024xf32>
    %broadcast_in_dim3A_24 = arith.constant 0 : i32
    %broadcast_in_dim3A_25 = vector.broadcast %broadcast_in_dim3A_24 : i32 to vector<8x1024xi32>
    %slice3A_26 = vector.extract_strided_slice %slice3A {offsets = [8, 0], sizes = [8, 1], strides = [1, 1]} : vector<1024x1xf32> to vector<8x1xf32>
    %add3A_27 = vector.broadcast %slice3A_26 : vector<8x1xf32> to vector<8x1024xf32>
    %add3A_28 = vector.broadcast %broadcast_in_dim3A : vector<1x1024xf32> to vector<8x1024xf32>
    %add3A_29 = arith.addf %add3A_27, %add3A_28 : vector<8x1024xf32>
    %slice3A_30 = vector.extract_strided_slice %dot_general3A_18 {offsets = [8, 0], sizes = [8, 1024], strides = [1, 1]} : vector<1024x1024xf32> to vector<8x1024xf32>
    %add3A_31 = arith.addf %add3A_29, %slice3A_30 : vector<8x1024xf32>
    %lt3A = arith.cmpf olt, %add3A_31, %add3A_23 : vector<8x1024xf32>
    %select_n3A = arith.select %lt3A, %add3A_31, %add3A_23 : vector<8x1024xi1>, vector<8x1024xf32>
    %jit3A = arith.constant 1 : i32
    %broadcast_in_dim3A_32 = vector.broadcast %jit3A : i32 to vector<8x1024xi32>
    %select_n3A_33 = arith.select %lt3A, %broadcast_in_dim3A_32, %broadcast_in_dim3A_25 : vector<8x1024xi1>, vector<8x1024xi32>
    %slice3A_34 = vector.extract_strided_slice %slice3A {offsets = [16, 0], sizes = [8, 1], strides = [1, 1]} : vector<1024x1xf32> to vector<8x1xf32>
    %add3A_35 = vector.broadcast %slice3A_34 : vector<8x1xf32> to vector<8x1024xf32>
    %add3A_36 = vector.broadcast %broadcast_in_dim3A : vector<1x1024xf32> to vector<8x1024xf32>
    %add3A_37 = arith.addf %add3A_35, %add3A_36 : vector<8x1024xf32>
    %slice3A_38 = vector.extract_strided_slice %dot_general3A_18 {offsets = [16, 0], sizes = [8, 1024], strides = [1, 1]} : vector<1024x1024xf32> to vector<8x1024xf32>
    %add3A_39 = arith.addf %add3A_37, %slice3A_38 : vector<8x1024xf32>
    %lt3A_40 = arith.cmpf olt, %add3A_39, %select_n3A : vector<8x1024xf32>
    %select_n3A_41 = arith.select %lt3A_40, %add3A_39, %select_n3A : vector<8x1024xi1>, vector<8x1024xf32>
    %jit3A_42 = arith.constant 2 : i32
    %broadcast_in_dim3A_43 = vector.broadcast %jit3A_42 : i32 to vector<8x1024xi32>
    %select_n3A_44 = arith.select %lt3A_40, %broadcast_in_dim3A_43, %select_n3A_33 : vector<8x1024xi1>, vector<8x1024xi32>
    %slice3A_45 = vector.extract_strided_slice %slice3A {offsets = [24, 0], sizes = [8, 1], strides = [1, 1]} : vector<1024x1xf32> to vector<8x1xf32>
    %add3A_46 = vector.broadcast %slice3A_45 : vector<8x1xf32> to vector<8x1024xf32>
    %add3A_47 = vector.broadcast %broadcast_in_dim3A : vector<1x1024xf32> to vector<8x1024xf32>
    %add3A_48 = arith.addf %add3A_46, %add3A_47 : vector<8x1024xf32>
    %slice3A_49 = vector.extract_strided_slice %dot_general3A_18 {offsets = [24, 0], sizes = [8, 1024], strides = [1, 1]} : vector<1024x1024xf32> to vector<8x1024xf32>
    %add3A_50 = arith.addf %add3A_48, %slice3A_49 : vector<8x1024xf32>
    %lt3A_51 = arith.cmpf olt, %add3A_50, %select_n3A_41 : vector<8x1024xf32>
    %select_n3A_52 = arith.select %lt3A_51, %add3A_50, %select_n3A_41 : vector<8x1024xi1>, vector<8x1024xf32>
    %jit3A_53 = arith.constant 3 : i32
    %broadcast_in_dim3A_54 = vector.broadcast %jit3A_53 : i32 to vector<8x1024xi32>
    %select_n3A_55 = arith.select %lt3A_51, %broadcast_in_dim3A_54, %select_n3A_44 : vector<8x1024xi1>, vector<8x1024xi32>
    %slice3A_56 = vector.extract_strided_slice %slice3A {offsets = [32, 0], sizes = [8, 1], strides = [1, 1]} : vector<1024x1xf32> to vector<8x1xf32>
    %add3A_57 = vector.broadcast %slice3A_56 : vector<8x1xf32> to vector<8x1024xf32>
    %add3A_58 = vector.broadcast %broadcast_in_dim3A : vector<1x1024xf32> to vector<8x1024xf32>
    %add3A_59 = arith.addf %add3A_57, %add3A_58 : vector<8x1024xf32>
    %slice3A_60 = vector.extract_strided_slice %dot_general3A_18 {offsets = [32, 0], sizes = [8, 1024], strides = [1, 1]} : vector<1024x1024xf32> to vector<8x1024xf32>
    %add3A_61 = arith.addf %add3A_59, %slice3A_60 : vector<8x1024xf32>
    %lt3A_62 = arith.cmpf olt, %add3A_61, %select_n3A_52 : vector<8x1024xf32>
    %select_n3A_63 = arith.select %lt3A_62, %add3A_61, %select_n3A_52 : vector<8x1024xi1>, vector<8x1024xf32>
    %jit3A_64 = arith.constant 4 : i32
    %broadcast_in_dim3A_65 = vector.broadcast %jit3A_64 : i32 to vector<8x1024xi32>
    %select_n3A_66 = arith.select %lt3A_62, %broadcast_in_dim3A_65, %select_n3A_55 : vector<8x1024xi1>, vector<8x1024xi32>
    %slice3A_67 = vector.extract_strided_slice %slice3A {offsets = [40, 0], sizes = [8, 1], strides = [1, 1]} : vector<1024x1xf32> to vector<8x1xf32>
    %add3A_68 = vector.broadcast %slice3A_67 : vector<8x1xf32> to vector<8x1024xf32>
    %add3A_69 = vector.broadcast %broadcast_in_dim3A : vector<1x1024xf32> to vector<8x1024xf32>
    %add3A_70 = arith.addf %add3A_68, %add3A_69 : vector<8x1024xf32>
    %slice3A_71 = vector.extract_strided_slice %dot_general3A_18 {offsets = [40, 0], sizes = [8, 1024], strides = [1, 1]} : vector<1024x1024xf32> to vector<8x1024xf32>
    %add3A_72 = arith.addf %add3A_70, %slice3A_71 : vector<8x1024xf32>
    %lt3A_73 = arith.cmpf olt, %add3A_72, %select_n3A_63 : vector<8x1024xf32>
    %select_n3A_74 = arith.select %lt3A_73, %add3A_72, %select_n3A_63 : vector<8x1024xi1>, vector<8x1024xf32>
    %jit3A_75 = arith.constant 5 : i32
    %broadcast_in_dim3A_76 = vector.broadcast %jit3A_75 : i32 to vector<8x1024xi32>
    %select_n3A_77 = arith.select %lt3A_73, %broadcast_in_dim3A_76, %select_n3A_66 : vector<8x1024xi1>, vector<8x1024xi32>
    %slice3A_78 = vector.extract_strided_slice %slice3A {offsets = [48, 0], sizes = [8, 1], strides = [1, 1]} : vector<1024x1xf32> to vector<8x1xf32>
    %add3A_79 = vector.broadcast %slice3A_78 : vector<8x1xf32> to vector<8x1024xf32>
    %add3A_80 = vector.broadcast %broadcast_in_dim3A : vector<1x1024xf32> to vector<8x1024xf32>
    %add3A_81 = arith.addf %add3A_79, %add3A_80 : vector<8x1024xf32>
    %slice3A_82 = vector.extract_strided_slice %dot_general3A_18 {offsets = [48, 0], sizes = [8, 1024], strides = [1, 1]} : vector<1024x1024xf32> to vector<8x1024xf32>
    %add3A_83 = arith.addf %add3A_81, %slice3A_82 : vector<8x1024xf32>
    %lt3A_84 = arith.cmpf olt, %add3A_83, %select_n3A_74 : vector<8x1024xf32>
    %select_n3A_85 = arith.select %lt3A_84, %add3A_83, %select_n3A_74 : vector<8x1024xi1>, vector<8x1024xf32>
    %jit3A_86 = arith.constant 6 : i32
    %broadcast_in_dim3A_87 = vector.broadcast %jit3A_86 : i32 to vector<8x1024xi32>
    %select_n3A_88 = arith.select %lt3A_84, %broadcast_in_dim3A_87, %select_n3A_77 : vector<8x1024xi1>, vector<8x1024xi32>
    %slice3A_89 = vector.extract_strided_slice %slice3A {offsets = [56, 0], sizes = [8, 1], strides = [1, 1]} : vector<1024x1xf32> to vector<8x1xf32>
    %add3A_90 = vector.broadcast %slice3A_89 : vector<8x1xf32> to vector<8x1024xf32>
    %add3A_91 = vector.broadcast %broadcast_in_dim3A : vector<1x1024xf32> to vector<8x1024xf32>
    %add3A_92 = arith.addf %add3A_90, %add3A_91 : vector<8x1024xf32>
    %slice3A_93 = vector.extract_strided_slice %dot_general3A_18 {offsets = [56, 0], sizes = [8, 1024], strides = [1, 1]} : vector<1024x1024xf32> to vector<8x1024xf32>
    %add3A_94 = arith.addf %add3A_92, %slice3A_93 : vector<8x1024xf32>
    %lt3A_95 = arith.cmpf olt, %add3A_94, %select_n3A_85 : vector<8x1024xf32>
    %select_n3A_96 = arith.select %lt3A_95, %add3A_94, %select_n3A_85 : vector<8x1024xi1>, vector<8x1024xf32>
    %jit3A_97 = arith.constant 7 : i32
    %broadcast_in_dim3A_98 = vector.broadcast %jit3A_97 : i32 to vector<8x1024xi32>
    %select_n3A_99 = arith.select %lt3A_95, %broadcast_in_dim3A_98, %select_n3A_88 : vector<8x1024xi1>, vector<8x1024xi32>
    %slice3A_100 = vector.extract_strided_slice %slice3A {offsets = [64, 0], sizes = [8, 1], strides = [1, 1]} : vector<1024x1xf32> to vector<8x1xf32>
    %add3A_101 = vector.broadcast %slice3A_100 : vector<8x1xf32> to vector<8x1024xf32>
    %add3A_102 = vector.broadcast %broadcast_in_dim3A : vector<1x1024xf32> to vector<8x1024xf32>
    %add3A_103 = arith.addf %add3A_101, %add3A_102 : vector<8x1024xf32>
    %slice3A_104 = vector.extract_strided_slice %dot_general3A_18 {offsets = [64, 0], sizes = [8, 1024], strides = [1, 1]} : vector<1024x1024xf32> to vector<8x1024xf32>
    %add3A_105 = arith.addf %add3A_103, %slice3A_104 : vector<8x1024xf32>
    %lt3A_106 = arith.cmpf olt, %add3A_105, %select_n3A_96 : vector<8x1024xf32>
    %select_n3A_107 = arith.select %lt3A_106, %add3A_105, %select_n3A_96 : vector<8x1024xi1>, vector<8x1024xf32>
    %jit3A_108 = arith.constant 8 : i32
    %broadcast_in_dim3A_109 = vector.broadcast %jit3A_108 : i32 to vector<8x1024xi32>
    %select_n3A_110 = arith.select %lt3A_106, %broadcast_in_dim3A_109, %select_n3A_99 : vector<8x1024xi1>, vector<8x1024xi32>
    %slice3A_111 = vector.extract_strided_slice %slice3A {offsets = [72, 0], sizes = [8, 1], strides = [1, 1]} : vector<1024x1xf32> to vector<8x1xf32>
    %add3A_112 = vector.broadcast %slice3A_111 : vector<8x1xf32> to vector<8x1024xf32>
    %add3A_113 = vector.broadcast %broadcast_in_dim3A : vector<1x1024xf32> to vector<8x1024xf32>
    %add3A_114 = arith.addf %add3A_112, %add3A_113 : vector<8x1024xf32>
    %slice3A_115 = vector.extract_strided_slice %dot_general3A_18 {offsets = [72, 0], sizes = [8, 1024], strides = [1, 1]} : vector<1024x1024xf32> to vector<8x1024xf32>
    %add3A_116 = arith.addf %add3A_114, %slice3A_115 : vector<8x1024xf32>
    %lt3A_117 = arith.cmpf olt, %add3A_116, %select_n3A_107 : vector<8x1024xf32>
    %select_n3A_118 = arith.select %lt3A_117, %add3A_116, %select_n3A_107 : vector<8x1024xi1>, vector<8x1024xf32>
    %jit3A_119 = arith.constant 9 : i32
    %broadcast_in_dim3A_120 = vector.broadcast %jit3A_119 : i32 to vector<8x1024xi32>
    %select_n3A_121 = arith.select %lt3A_117, %broadcast_in_dim3A_120, %select_n3A_110 : vector<8x1024xi1>, vector<8x1024xi32>
    %slice3A_122 = vector.extract_strided_slice %slice3A {offsets = [80, 0], sizes = [8, 1], strides = [1, 1]} : vector<1024x1xf32> to vector<8x1xf32>
    %add3A_123 = vector.broadcast %slice3A_122 : vector<8x1xf32> to vector<8x1024xf32>
    %add3A_124 = vector.broadcast %broadcast_in_dim3A : vector<1x1024xf32> to vector<8x1024xf32>
    %add3A_125 = arith.addf %add3A_123, %add3A_124 : vector<8x1024xf32>
    %slice3A_126 = vector.extract_strided_slice %dot_general3A_18 {offsets = [80, 0], sizes = [8, 1024], strides = [1, 1]} : vector<1024x1024xf32> to vector<8x1024xf32>
    %add3A_127 = arith.addf %add3A_125, %slice3A_126 : vector<8x1024xf32>
    %lt3A_128 = arith.cmpf olt, %add3A_127, %select_n3A_118 : vector<8x1024xf32>
    %select_n3A_129 = arith.select %lt3A_128, %add3A_127, %select_n3A_118 : vector<8x1024xi1>, vector<8x1024xf32>
    %jit3A_130 = arith.constant 10 : i32
    %broadcast_in_dim3A_131 = vector.broadcast %jit3A_130 : i32 to vector<8x1024xi32>
    %select_n3A_132 = arith.select %lt3A_128, %broadcast_in_dim3A_131, %select_n3A_121 : vector<8x1024xi1>, vector<8x1024xi32>
    %slice3A_133 = vector.extract_strided_slice %slice3A {offsets = [88, 0], sizes = [8, 1], strides = [1, 1]} : vector<1024x1xf32> to vector<8x1xf32>
    %add3A_134 = vector.broadcast %slice3A_133 : vector<8x1xf32> to vector<8x1024xf32>
    %add3A_135 = vector.broadcast %broadcast_in_dim3A : vector<1x1024xf32> to vector<8x1024xf32>
    %add3A_136 = arith.addf %add3A_134, %add3A_135 : vector<8x1024xf32>
    %slice3A_137 = vector.extract_strided_slice %dot_general3A_18 {offsets = [88, 0], sizes = [8, 1024], strides = [1, 1]} : vector<1024x1024xf32> to vector<8x1024xf32>
    %add3A_138 = arith.addf %add3A_136, %slice3A_137 : vector<8x1024xf32>
    %lt3A_139 = arith.cmpf olt, %add3A_138, %select_n3A_129 : vector<8x1024xf32>
    %select_n3A_140 = arith.select %lt3A_139, %add3A_138, %select_n3A_129 : vector<8x1024xi1>, vector<8x1024xf32>
    %jit3A_141 = arith.constant 11 : i32
    %broadcast_in_dim3A_142 = vector.broadcast %jit3A_141 : i32 to vector<8x1024xi32>
    %select_n3A_143 = arith.select %lt3A_139, %broadcast_in_dim3A_142, %select_n3A_132 : vector<8x1024xi1>, vector<8x1024xi32>
    %slice3A_144 = vector.extract_strided_slice %slice3A {offsets = [96, 0], sizes = [8, 1], strides = [1, 1]} : vector<1024x1xf32> to vector<8x1xf32>
    %add3A_145 = vector.broadcast %slice3A_144 : vector<8x1xf32> to vector<8x1024xf32>
    %add3A_146 = vector.broadcast %broadcast_in_dim3A : vector<1x1024xf32> to vector<8x1024xf32>
    %add3A_147 = arith.addf %add3A_145, %add3A_146 : vector<8x1024xf32>
    %slice3A_148 = vector.extract_strided_slice %dot_general3A_18 {offsets = [96, 0], sizes = [8, 1024], strides = [1, 1]} : vector<1024x1024xf32> to vector<8x1024xf32>
    %add3A_149 = arith.addf %add3A_147, %slice3A_148 : vector<8x1024xf32>
    %lt3A_150 = arith.cmpf olt, %add3A_149, %select_n3A_140 : vector<8x1024xf32>
    %select_n3A_151 = arith.select %lt3A_150, %add3A_149, %select_n3A_140 : vector<8x1024xi1>, vector<8x1024xf32>
    %jit3A_152 = arith.constant 12 : i32
    %broadcast_in_dim3A_153 = vector.broadcast %jit3A_152 : i32 to vector<8x1024xi32>
    %select_n3A_154 = arith.select %lt3A_150, %broadcast_in_dim3A_153, %select_n3A_143 : vector<8x1024xi1>, vector<8x1024xi32>
    %slice3A_155 = vector.extract_strided_slice %slice3A {offsets = [104, 0], sizes = [8, 1], strides = [1, 1]} : vector<1024x1xf32> to vector<8x1xf32>
    %add3A_156 = vector.broadcast %slice3A_155 : vector<8x1xf32> to vector<8x1024xf32>
    %add3A_157 = vector.broadcast %broadcast_in_dim3A : vector<1x1024xf32> to vector<8x1024xf32>
    %add3A_158 = arith.addf %add3A_156, %add3A_157 : vector<8x1024xf32>
    %slice3A_159 = vector.extract_strided_slice %dot_general3A_18 {offsets = [104, 0], sizes = [8, 1024], strides = [1, 1]} : vector<1024x1024xf32> to vector<8x1024xf32>
    %add3A_160 = arith.addf %add3A_158, %slice3A_159 : vector<8x1024xf32>
    %lt3A_161 = arith.cmpf olt, %add3A_160, %select_n3A_151 : vector<8x1024xf32>
    %select_n3A_162 = arith.select %lt3A_161, %add3A_160, %select_n3A_151 : vector<8x1024xi1>, vector<8x1024xf32>
    %jit3A_163 = arith.constant 13 : i32
    %broadcast_in_dim3A_164 = vector.broadcast %jit3A_163 : i32 to vector<8x1024xi32>
    %select_n3A_165 = arith.select %lt3A_161, %broadcast_in_dim3A_164, %select_n3A_154 : vector<8x1024xi1>, vector<8x1024xi32>
    %slice3A_166 = vector.extract_strided_slice %slice3A {offsets = [112, 0], sizes = [8, 1], strides = [1, 1]} : vector<1024x1xf32> to vector<8x1xf32>
    %add3A_167 = vector.broadcast %slice3A_166 : vector<8x1xf32> to vector<8x1024xf32>
    %add3A_168 = vector.broadcast %broadcast_in_dim3A : vector<1x1024xf32> to vector<8x1024xf32>
    %add3A_169 = arith.addf %add3A_167, %add3A_168 : vector<8x1024xf32>
    %slice3A_170 = vector.extract_strided_slice %dot_general3A_18 {offsets = [112, 0], sizes = [8, 1024], strides = [1, 1]} : vector<1024x1024xf32> to vector<8x1024xf32>
    %add3A_171 = arith.addf %add3A_169, %slice3A_170 : vector<8x1024xf32>
    %lt3A_172 = arith.cmpf olt, %add3A_171, %select_n3A_162 : vector<8x1024xf32>
    %select_n3A_173 = arith.select %lt3A_172, %add3A_171, %select_n3A_162 : vector<8x1024xi1>, vector<8x1024xf32>
    %jit3A_174 = arith.constant 14 : i32
    %broadcast_in_dim3A_175 = vector.broadcast %jit3A_174 : i32 to vector<8x1024xi32>
    %select_n3A_176 = arith.select %lt3A_172, %broadcast_in_dim3A_175, %select_n3A_165 : vector<8x1024xi1>, vector<8x1024xi32>
    %slice3A_177 = vector.extract_strided_slice %slice3A {offsets = [120, 0], sizes = [8, 1], strides = [1, 1]} : vector<1024x1xf32> to vector<8x1xf32>
    %add3A_178 = vector.broadcast %slice3A_177 : vector<8x1xf32> to vector<8x1024xf32>
    %add3A_179 = vector.broadcast %broadcast_in_dim3A : vector<1x1024xf32> to vector<8x1024xf32>
    %add3A_180 = arith.addf %add3A_178, %add3A_179 : vector<8x1024xf32>
    %slice3A_181 = vector.extract_strided_slice %dot_general3A_18 {offsets = [120, 0], sizes = [8, 1024], strides = [1, 1]} : vector<1024x1024xf32> to vector<8x1024xf32>
    %add3A_182 = arith.addf %add3A_180, %slice3A_181 : vector<8x1024xf32>
    %lt3A_183 = arith.cmpf olt, %add3A_182, %select_n3A_173 : vector<8x1024xf32>
    %select_n3A_184 = arith.select %lt3A_183, %add3A_182, %select_n3A_173 : vector<8x1024xi1>, vector<8x1024xf32>
    %jit3A_185 = arith.constant 15 : i32
    %broadcast_in_dim3A_186 = vector.broadcast %jit3A_185 : i32 to vector<8x1024xi32>
    %select_n3A_187 = arith.select %lt3A_183, %broadcast_in_dim3A_186, %select_n3A_176 : vector<8x1024xi1>, vector<8x1024xi32>
    %slice3A_188 = vector.extract_strided_slice %slice3A {offsets = [128, 0], sizes = [8, 1], strides = [1, 1]} : vector<1024x1xf32> to vector<8x1xf32>
    %add3A_189 = vector.broadcast %slice3A_188 : vector<8x1xf32> to vector<8x1024xf32>
    %add3A_190 = vector.broadcast %broadcast_in_dim3A : vector<1x1024xf32> to vector<8x1024xf32>
    %add3A_191 = arith.addf %add3A_189, %add3A_190 : vector<8x1024xf32>
    %slice3A_192 = vector.extract_strided_slice %dot_general3A_18 {offsets = [128, 0], sizes = [8, 1024], strides = [1, 1]} : vector<1024x1024xf32> to vector<8x1024xf32>
    %add3A_193 = arith.addf %add3A_191, %slice3A_192 : vector<8x1024xf32>
    %lt3A_194 = arith.cmpf olt, %add3A_193, %select_n3A_184 : vector<8x1024xf32>
    %select_n3A_195 = arith.select %lt3A_194, %add3A_193, %select_n3A_184 : vector<8x1024xi1>, vector<8x1024xf32>
    %jit3A_196 = arith.constant 16 : i32
    %broadcast_in_dim3A_197 = vector.broadcast %jit3A_196 : i32 to vector<8x1024xi32>
    %select_n3A_198 = arith.select %lt3A_194, %broadcast_in_dim3A_197, %select_n3A_187 : vector<8x1024xi1>, vector<8x1024xi32>
    %slice3A_199 = vector.extract_strided_slice %slice3A {offsets = [136, 0], sizes = [8, 1], strides = [1, 1]} : vector<1024x1xf32> to vector<8x1xf32>
    %add3A_200 = vector.broadcast %slice3A_199 : vector<8x1xf32> to vector<8x1024xf32>
    %add3A_201 = vector.broadcast %broadcast_in_dim3A : vector<1x1024xf32> to vector<8x1024xf32>
    %add3A_202 = arith.addf %add3A_200, %add3A_201 : vector<8x1024xf32>
    %slice3A_203 = vector.extract_strided_slice %dot_general3A_18 {offsets = [136, 0], sizes = [8, 1024], strides = [1, 1]} : vector<1024x1024xf32> to vector<8x1024xf32>
    %add3A_204 = arith.addf %add3A_202, %slice3A_203 : vector<8x1024xf32>
    %lt3A_205 = arith.cmpf olt, %add3A_204, %select_n3A_195 : vector<8x1024xf32>
    %select_n3A_206 = arith.select %lt3A_205, %add3A_204, %select_n3A_195 : vector<8x1024xi1>, vector<8x1024xf32>
    %jit3A_207 = arith.constant 17 : i32
    %broadcast_in_dim3A_208 = vector.broadcast %jit3A_207 : i32 to vector<8x1024xi32>
    %select_n3A_209 = arith.select %lt3A_205, %broadcast_in_dim3A_208, %select_n3A_198 : vector<8x1024xi1>, vector<8x1024xi32>
    %slice3A_210 = vector.extract_strided_slice %slice3A {offsets = [144, 0], sizes = [8, 1], strides = [1, 1]} : vector<1024x1xf32> to vector<8x1xf32>
    %add3A_211 = vector.broadcast %slice3A_210 : vector<8x1xf32> to vector<8x1024xf32>
    %add3A_212 = vector.broadcast %broadcast_in_dim3A : vector<1x1024xf32> to vector<8x1024xf32>
    %add3A_213 = arith.addf %add3A_211, %add3A_212 : vector<8x1024xf32>
    %slice3A_214 = vector.extract_strided_slice %dot_general3A_18 {offsets = [144, 0], sizes = [8, 1024], strides = [1, 1]} : vector<1024x1024xf32> to vector<8x1024xf32>
    %add3A_215 = arith.addf %add3A_213, %slice3A_214 : vector<8x1024xf32>
    %lt3A_216 = arith.cmpf olt, %add3A_215, %select_n3A_206 : vector<8x1024xf32>
    %select_n3A_217 = arith.select %lt3A_216, %add3A_215, %select_n3A_206 : vector<8x1024xi1>, vector<8x1024xf32>
    %jit3A_218 = arith.constant 18 : i32
    %broadcast_in_dim3A_219 = vector.broadcast %jit3A_218 : i32 to vector<8x1024xi32>
    %select_n3A_220 = arith.select %lt3A_216, %broadcast_in_dim3A_219, %select_n3A_209 : vector<8x1024xi1>, vector<8x1024xi32>
    %slice3A_221 = vector.extract_strided_slice %slice3A {offsets = [152, 0], sizes = [8, 1], strides = [1, 1]} : vector<1024x1xf32> to vector<8x1xf32>
    %add3A_222 = vector.broadcast %slice3A_221 : vector<8x1xf32> to vector<8x1024xf32>
    %add3A_223 = vector.broadcast %broadcast_in_dim3A : vector<1x1024xf32> to vector<8x1024xf32>
    %add3A_224 = arith.addf %add3A_222, %add3A_223 : vector<8x1024xf32>
    %slice3A_225 = vector.extract_strided_slice %dot_general3A_18 {offsets = [152, 0], sizes = [8, 1024], strides = [1, 1]} : vector<1024x1024xf32> to vector<8x1024xf32>
    %add3A_226 = arith.addf %add3A_224, %slice3A_225 : vector<8x1024xf32>
    %lt3A_227 = arith.cmpf olt, %add3A_226, %select_n3A_217 : vector<8x1024xf32>
    %select_n3A_228 = arith.select %lt3A_227, %add3A_226, %select_n3A_217 : vector<8x1024xi1>, vector<8x1024xf32>
    %jit3A_229 = arith.constant 19 : i32
    %broadcast_in_dim3A_230 = vector.broadcast %jit3A_229 : i32 to vector<8x1024xi32>
    %select_n3A_231 = arith.select %lt3A_227, %broadcast_in_dim3A_230, %select_n3A_220 : vector<8x1024xi1>, vector<8x1024xi32>
    %slice3A_232 = vector.extract_strided_slice %slice3A {offsets = [160, 0], sizes = [8, 1], strides = [1, 1]} : vector<1024x1xf32> to vector<8x1xf32>
    %add3A_233 = vector.broadcast %slice3A_232 : vector<8x1xf32> to vector<8x1024xf32>
    %add3A_234 = vector.broadcast %broadcast_in_dim3A : vector<1x1024xf32> to vector<8x1024xf32>
    %add3A_235 = arith.addf %add3A_233, %add3A_234 : vector<8x1024xf32>
    %slice3A_236 = vector.extract_strided_slice %dot_general3A_18 {offsets = [160, 0], sizes = [8, 1024], strides = [1, 1]} : vector<1024x1024xf32> to vector<8x1024xf32>
    %add3A_237 = arith.addf %add3A_235, %slice3A_236 : vector<8x1024xf32>
    %lt3A_238 = arith.cmpf olt, %add3A_237, %select_n3A_228 : vector<8x1024xf32>
    %select_n3A_239 = arith.select %lt3A_238, %add3A_237, %select_n3A_228 : vector<8x1024xi1>, vector<8x1024xf32>
    %jit3A_240 = arith.constant 20 : i32
    %broadcast_in_dim3A_241 = vector.broadcast %jit3A_240 : i32 to vector<8x1024xi32>
    %select_n3A_242 = arith.select %lt3A_238, %broadcast_in_dim3A_241, %select_n3A_231 : vector<8x1024xi1>, vector<8x1024xi32>
    %slice3A_243 = vector.extract_strided_slice %slice3A {offsets = [168, 0], sizes = [8, 1], strides = [1, 1]} : vector<1024x1xf32> to vector<8x1xf32>
    %add3A_244 = vector.broadcast %slice3A_243 : vector<8x1xf32> to vector<8x1024xf32>
    %add3A_245 = vector.broadcast %broadcast_in_dim3A : vector<1x1024xf32> to vector<8x1024xf32>
    %add3A_246 = arith.addf %add3A_244, %add3A_245 : vector<8x1024xf32>
    %slice3A_247 = vector.extract_strided_slice %dot_general3A_18 {offsets = [168, 0], sizes = [8, 1024], strides = [1, 1]} : vector<1024x1024xf32> to vector<8x1024xf32>
    %add3A_248 = arith.addf %add3A_246, %slice3A_247 : vector<8x1024xf32>
    %lt3A_249 = arith.cmpf olt, %add3A_248, %select_n3A_239 : vector<8x1024xf32>
    %select_n3A_250 = arith.select %lt3A_249, %add3A_248, %select_n3A_239 : vector<8x1024xi1>, vector<8x1024xf32>
    %jit3A_251 = arith.constant 21 : i32
    %broadcast_in_dim3A_252 = vector.broadcast %jit3A_251 : i32 to vector<8x1024xi32>
    %select_n3A_253 = arith.select %lt3A_249, %broadcast_in_dim3A_252, %select_n3A_242 : vector<8x1024xi1>, vector<8x1024xi32>
    %slice3A_254 = vector.extract_strided_slice %slice3A {offsets = [176, 0], sizes = [8, 1], strides = [1, 1]} : vector<1024x1xf32> to vector<8x1xf32>
    %add3A_255 = vector.broadcast %slice3A_254 : vector<8x1xf32> to vector<8x1024xf32>
    %add3A_256 = vector.broadcast %broadcast_in_dim3A : vector<1x1024xf32> to vector<8x1024xf32>
    %add3A_257 = arith.addf %add3A_255, %add3A_256 : vector<8x1024xf32>
    %slice3A_258 = vector.extract_strided_slice %dot_general3A_18 {offsets = [176, 0], sizes = [8, 1024], strides = [1, 1]} : vector<1024x1024xf32> to vector<8x1024xf32>
    %add3A_259 = arith.addf %add3A_257, %slice3A_258 : vector<8x1024xf32>
    %lt3A_260 = arith.cmpf olt, %add3A_259, %select_n3A_250 : vector<8x1024xf32>
    %select_n3A_261 = arith.select %lt3A_260, %add3A_259, %select_n3A_250 : vector<8x1024xi1>, vector<8x1024xf32>
    %jit3A_262 = arith.constant 22 : i32
    %broadcast_in_dim3A_263 = vector.broadcast %jit3A_262 : i32 to vector<8x1024xi32>
    %select_n3A_264 = arith.select %lt3A_260, %broadcast_in_dim3A_263, %select_n3A_253 : vector<8x1024xi1>, vector<8x1024xi32>
    %slice3A_265 = vector.extract_strided_slice %slice3A {offsets = [184, 0], sizes = [8, 1], strides = [1, 1]} : vector<1024x1xf32> to vector<8x1xf32>
    %add3A_266 = vector.broadcast %slice3A_265 : vector<8x1xf32> to vector<8x1024xf32>
    %add3A_267 = vector.broadcast %broadcast_in_dim3A : vector<1x1024xf32> to vector<8x1024xf32>
    %add3A_268 = arith.addf %add3A_266, %add3A_267 : vector<8x1024xf32>
    %slice3A_269 = vector.extract_strided_slice %dot_general3A_18 {offsets = [184, 0], sizes = [8, 1024], strides = [1, 1]} : vector<1024x1024xf32> to vector<8x1024xf32>
    %add3A_270 = arith.addf %add3A_268, %slice3A_269 : vector<8x1024xf32>
    %lt3A_271 = arith.cmpf olt, %add3A_270, %select_n3A_261 : vector<8x1024xf32>
    %select_n3A_272 = arith.select %lt3A_271, %add3A_270, %select_n3A_261 : vector<8x1024xi1>, vector<8x1024xf32>
    %jit3A_273 = arith.constant 23 : i32
    %broadcast_in_dim3A_274 = vector.broadcast %jit3A_273 : i32 to vector<8x1024xi32>
    %select_n3A_275 = arith.select %lt3A_271, %broadcast_in_dim3A_274, %select_n3A_264 : vector<8x1024xi1>, vector<8x1024xi32>
    %slice3A_276 = vector.extract_strided_slice %slice3A {offsets = [192, 0], sizes = [8, 1], strides = [1, 1]} : vector<1024x1xf32> to vector<8x1xf32>
    %add3A_277 = vector.broadcast %slice3A_276 : vector<8x1xf32> to vector<8x1024xf32>
    %add3A_278 = vector.broadcast %broadcast_in_dim3A : vector<1x1024xf32> to vector<8x1024xf32>
    %add3A_279 = arith.addf %add3A_277, %add3A_278 : vector<8x1024xf32>
    %slice3A_280 = vector.extract_strided_slice %dot_general3A_18 {offsets = [192, 0], sizes = [8, 1024], strides = [1, 1]} : vector<1024x1024xf32> to vector<8x1024xf32>
    %add3A_281 = arith.addf %add3A_279, %slice3A_280 : vector<8x1024xf32>
    %lt3A_282 = arith.cmpf olt, %add3A_281, %select_n3A_272 : vector<8x1024xf32>
    %select_n3A_283 = arith.select %lt3A_282, %add3A_281, %select_n3A_272 : vector<8x1024xi1>, vector<8x1024xf32>
    %jit3A_284 = arith.constant 24 : i32
    %broadcast_in_dim3A_285 = vector.broadcast %jit3A_284 : i32 to vector<8x1024xi32>
    %select_n3A_286 = arith.select %lt3A_282, %broadcast_in_dim3A_285, %select_n3A_275 : vector<8x1024xi1>, vector<8x1024xi32>
    %slice3A_287 = vector.extract_strided_slice %slice3A {offsets = [200, 0], sizes = [8, 1], strides = [1, 1]} : vector<1024x1xf32> to vector<8x1xf32>
    %add3A_288 = vector.broadcast %slice3A_287 : vector<8x1xf32> to vector<8x1024xf32>
    %add3A_289 = vector.broadcast %broadcast_in_dim3A : vector<1x1024xf32> to vector<8x1024xf32>
    %add3A_290 = arith.addf %add3A_288, %add3A_289 : vector<8x1024xf32>
    %slice3A_291 = vector.extract_strided_slice %dot_general3A_18 {offsets = [200, 0], sizes = [8, 1024], strides = [1, 1]} : vector<1024x1024xf32> to vector<8x1024xf32>
    %add3A_292 = arith.addf %add3A_290, %slice3A_291 : vector<8x1024xf32>
    %lt3A_293 = arith.cmpf olt, %add3A_292, %select_n3A_283 : vector<8x1024xf32>
    %select_n3A_294 = arith.select %lt3A_293, %add3A_292, %select_n3A_283 : vector<8x1024xi1>, vector<8x1024xf32>
    %jit3A_295 = arith.constant 25 : i32
    %broadcast_in_dim3A_296 = vector.broadcast %jit3A_295 : i32 to vector<8x1024xi32>
    %select_n3A_297 = arith.select %lt3A_293, %broadcast_in_dim3A_296, %select_n3A_286 : vector<8x1024xi1>, vector<8x1024xi32>
    %slice3A_298 = vector.extract_strided_slice %slice3A {offsets = [208, 0], sizes = [8, 1], strides = [1, 1]} : vector<1024x1xf32> to vector<8x1xf32>
    %add3A_299 = vector.broadcast %slice3A_298 : vector<8x1xf32> to vector<8x1024xf32>
    %add3A_300 = vector.broadcast %broadcast_in_dim3A : vector<1x1024xf32> to vector<8x1024xf32>
    %add3A_301 = arith.addf %add3A_299, %add3A_300 : vector<8x1024xf32>
    %slice3A_302 = vector.extract_strided_slice %dot_general3A_18 {offsets = [208, 0], sizes = [8, 1024], strides = [1, 1]} : vector<1024x1024xf32> to vector<8x1024xf32>
    %add3A_303 = arith.addf %add3A_301, %slice3A_302 : vector<8x1024xf32>
    %lt3A_304 = arith.cmpf olt, %add3A_303, %select_n3A_294 : vector<8x1024xf32>
    %select_n3A_305 = arith.select %lt3A_304, %add3A_303, %select_n3A_294 : vector<8x1024xi1>, vector<8x1024xf32>
    %jit3A_306 = arith.constant 26 : i32
    %broadcast_in_dim3A_307 = vector.broadcast %jit3A_306 : i32 to vector<8x1024xi32>
    %select_n3A_308 = arith.select %lt3A_304, %broadcast_in_dim3A_307, %select_n3A_297 : vector<8x1024xi1>, vector<8x1024xi32>
    %slice3A_309 = vector.extract_strided_slice %slice3A {offsets = [216, 0], sizes = [8, 1], strides = [1, 1]} : vector<1024x1xf32> to vector<8x1xf32>
    %add3A_310 = vector.broadcast %slice3A_309 : vector<8x1xf32> to vector<8x1024xf32>
    %add3A_311 = vector.broadcast %broadcast_in_dim3A : vector<1x1024xf32> to vector<8x1024xf32>
    %add3A_312 = arith.addf %add3A_310, %add3A_311 : vector<8x1024xf32>
    %slice3A_313 = vector.extract_strided_slice %dot_general3A_18 {offsets = [216, 0], sizes = [8, 1024], strides = [1, 1]} : vector<1024x1024xf32> to vector<8x1024xf32>
    %add3A_314 = arith.addf %add3A_312, %slice3A_313 : vector<8x1024xf32>
    %lt3A_315 = arith.cmpf olt, %add3A_314, %select_n3A_305 : vector<8x1024xf32>
    %select_n3A_316 = arith.select %lt3A_315, %add3A_314, %select_n3A_305 : vector<8x1024xi1>, vector<8x1024xf32>
    %jit3A_317 = arith.constant 27 : i32
    %broadcast_in_dim3A_318 = vector.broadcast %jit3A_317 : i32 to vector<8x1024xi32>
    %select_n3A_319 = arith.select %lt3A_315, %broadcast_in_dim3A_318, %select_n3A_308 : vector<8x1024xi1>, vector<8x1024xi32>
    %slice3A_320 = vector.extract_strided_slice %slice3A {offsets = [224, 0], sizes = [8, 1], strides = [1, 1]} : vector<1024x1xf32> to vector<8x1xf32>
    %add3A_321 = vector.broadcast %slice3A_320 : vector<8x1xf32> to vector<8x1024xf32>
    %add3A_322 = vector.broadcast %broadcast_in_dim3A : vector<1x1024xf32> to vector<8x1024xf32>
    %add3A_323 = arith.addf %add3A_321, %add3A_322 : vector<8x1024xf32>
    %slice3A_324 = vector.extract_strided_slice %dot_general3A_18 {offsets = [224, 0], sizes = [8, 1024], strides = [1, 1]} : vector<1024x1024xf32> to vector<8x1024xf32>
    %add3A_325 = arith.addf %add3A_323, %slice3A_324 : vector<8x1024xf32>
    %lt3A_326 = arith.cmpf olt, %add3A_325, %select_n3A_316 : vector<8x1024xf32>
    %select_n3A_327 = arith.select %lt3A_326, %add3A_325, %select_n3A_316 : vector<8x1024xi1>, vector<8x1024xf32>
    %jit3A_328 = arith.constant 28 : i32
    %broadcast_in_dim3A_329 = vector.broadcast %jit3A_328 : i32 to vector<8x1024xi32>
    %select_n3A_330 = arith.select %lt3A_326, %broadcast_in_dim3A_329, %select_n3A_319 : vector<8x1024xi1>, vector<8x1024xi32>
    %slice3A_331 = vector.extract_strided_slice %slice3A {offsets = [232, 0], sizes = [8, 1], strides = [1, 1]} : vector<1024x1xf32> to vector<8x1xf32>
    %add3A_332 = vector.broadcast %slice3A_331 : vector<8x1xf32> to vector<8x1024xf32>
    %add3A_333 = vector.broadcast %broadcast_in_dim3A : vector<1x1024xf32> to vector<8x1024xf32>
    %add3A_334 = arith.addf %add3A_332, %add3A_333 : vector<8x1024xf32>
    %slice3A_335 = vector.extract_strided_slice %dot_general3A_18 {offsets = [232, 0], sizes = [8, 1024], strides = [1, 1]} : vector<1024x1024xf32> to vector<8x1024xf32>
    %add3A_336 = arith.addf %add3A_334, %slice3A_335 : vector<8x1024xf32>
    %lt3A_337 = arith.cmpf olt, %add3A_336, %select_n3A_327 : vector<8x1024xf32>
    %select_n3A_338 = arith.select %lt3A_337, %add3A_336, %select_n3A_327 : vector<8x1024xi1>, vector<8x1024xf32>
    %jit3A_339 = arith.constant 29 : i32
    %broadcast_in_dim3A_340 = vector.broadcast %jit3A_339 : i32 to vector<8x1024xi32>
    %select_n3A_341 = arith.select %lt3A_337, %broadcast_in_dim3A_340, %select_n3A_330 : vector<8x1024xi1>, vector<8x1024xi32>
    %slice3A_342 = vector.extract_strided_slice %slice3A {offsets = [240, 0], sizes = [8, 1], strides = [1, 1]} : vector<1024x1xf32> to vector<8x1xf32>
    %add3A_343 = vector.broadcast %slice3A_342 : vector<8x1xf32> to vector<8x1024xf32>
    %add3A_344 = vector.broadcast %broadcast_in_dim3A : vector<1x1024xf32> to vector<8x1024xf32>
    %add3A_345 = arith.addf %add3A_343, %add3A_344 : vector<8x1024xf32>
    %slice3A_346 = vector.extract_strided_slice %dot_general3A_18 {offsets = [240, 0], sizes = [8, 1024], strides = [1, 1]} : vector<1024x1024xf32> to vector<8x1024xf32>
    %add3A_347 = arith.addf %add3A_345, %slice3A_346 : vector<8x1024xf32>
    %lt3A_348 = arith.cmpf olt, %add3A_347, %select_n3A_338 : vector<8x1024xf32>
    %select_n3A_349 = arith.select %lt3A_348, %add3A_347, %select_n3A_338 : vector<8x1024xi1>, vector<8x1024xf32>
    %jit3A_350 = arith.constant 30 : i32
    %broadcast_in_dim3A_351 = vector.broadcast %jit3A_350 : i32 to vector<8x1024xi32>
    %select_n3A_352 = arith.select %lt3A_348, %broadcast_in_dim3A_351, %select_n3A_341 : vector<8x1024xi1>, vector<8x1024xi32>
    %slice3A_353 = vector.extract_strided_slice %slice3A {offsets = [248, 0], sizes = [8, 1], strides = [1, 1]} : vector<1024x1xf32> to vector<8x1xf32>
    %add3A_354 = vector.broadcast %slice3A_353 : vector<8x1xf32> to vector<8x1024xf32>
    %add3A_355 = vector.broadcast %broadcast_in_dim3A : vector<1x1024xf32> to vector<8x1024xf32>
    %add3A_356 = arith.addf %add3A_354, %add3A_355 : vector<8x1024xf32>
    %slice3A_357 = vector.extract_strided_slice %dot_general3A_18 {offsets = [248, 0], sizes = [8, 1024], strides = [1, 1]} : vector<1024x1024xf32> to vector<8x1024xf32>
    %add3A_358 = arith.addf %add3A_356, %slice3A_357 : vector<8x1024xf32>
    %lt3A_359 = arith.cmpf olt, %add3A_358, %select_n3A_349 : vector<8x1024xf32>
    %select_n3A_360 = arith.select %lt3A_359, %add3A_358, %select_n3A_349 : vector<8x1024xi1>, vector<8x1024xf32>
    %jit3A_361 = arith.constant 31 : i32
    %broadcast_in_dim3A_362 = vector.broadcast %jit3A_361 : i32 to vector<8x1024xi32>
    %select_n3A_363 = arith.select %lt3A_359, %broadcast_in_dim3A_362, %select_n3A_352 : vector<8x1024xi1>, vector<8x1024xi32>
    %slice3A_364 = vector.extract_strided_slice %slice3A {offsets = [256, 0], sizes = [8, 1], strides = [1, 1]} : vector<1024x1xf32> to vector<8x1xf32>
    %add3A_365 = vector.broadcast %slice3A_364 : vector<8x1xf32> to vector<8x1024xf32>
    %add3A_366 = vector.broadcast %broadcast_in_dim3A : vector<1x1024xf32> to vector<8x1024xf32>
    %add3A_367 = arith.addf %add3A_365, %add3A_366 : vector<8x1024xf32>
    %slice3A_368 = vector.extract_strided_slice %dot_general3A_18 {offsets = [256, 0], sizes = [8, 1024], strides = [1, 1]} : vector<1024x1024xf32> to vector<8x1024xf32>
    %add3A_369 = arith.addf %add3A_367, %slice3A_368 : vector<8x1024xf32>
    %lt3A_370 = arith.cmpf olt, %add3A_369, %select_n3A_360 : vector<8x1024xf32>
    %select_n3A_371 = arith.select %lt3A_370, %add3A_369, %select_n3A_360 : vector<8x1024xi1>, vector<8x1024xf32>
    %jit3A_372 = arith.constant 32 : i32
    %broadcast_in_dim3A_373 = vector.broadcast %jit3A_372 : i32 to vector<8x1024xi32>
    %select_n3A_374 = arith.select %lt3A_370, %broadcast_in_dim3A_373, %select_n3A_363 : vector<8x1024xi1>, vector<8x1024xi32>
    %slice3A_375 = vector.extract_strided_slice %slice3A {offsets = [264, 0], sizes = [8, 1], strides = [1, 1]} : vector<1024x1xf32> to vector<8x1xf32>
    %add3A_376 = vector.broadcast %slice3A_375 : vector<8x1xf32> to vector<8x1024xf32>
    %add3A_377 = vector.broadcast %broadcast_in_dim3A : vector<1x1024xf32> to vector<8x1024xf32>
    %add3A_378 = arith.addf %add3A_376, %add3A_377 : vector<8x1024xf32>
    %slice3A_379 = vector.extract_strided_slice %dot_general3A_18 {offsets = [264, 0], sizes = [8, 1024], strides = [1, 1]} : vector<1024x1024xf32> to vector<8x1024xf32>
    %add3A_380 = arith.addf %add3A_378, %slice3A_379 : vector<8x1024xf32>
    %lt3A_381 = arith.cmpf olt, %add3A_380, %select_n3A_371 : vector<8x1024xf32>
    %select_n3A_382 = arith.select %lt3A_381, %add3A_380, %select_n3A_371 : vector<8x1024xi1>, vector<8x1024xf32>
    %jit3A_383 = arith.constant 33 : i32
    %broadcast_in_dim3A_384 = vector.broadcast %jit3A_383 : i32 to vector<8x1024xi32>
    %select_n3A_385 = arith.select %lt3A_381, %broadcast_in_dim3A_384, %select_n3A_374 : vector<8x1024xi1>, vector<8x1024xi32>
    %slice3A_386 = vector.extract_strided_slice %slice3A {offsets = [272, 0], sizes = [8, 1], strides = [1, 1]} : vector<1024x1xf32> to vector<8x1xf32>
    %add3A_387 = vector.broadcast %slice3A_386 : vector<8x1xf32> to vector<8x1024xf32>
    %add3A_388 = vector.broadcast %broadcast_in_dim3A : vector<1x1024xf32> to vector<8x1024xf32>
    %add3A_389 = arith.addf %add3A_387, %add3A_388 : vector<8x1024xf32>
    %slice3A_390 = vector.extract_strided_slice %dot_general3A_18 {offsets = [272, 0], sizes = [8, 1024], strides = [1, 1]} : vector<1024x1024xf32> to vector<8x1024xf32>
    %add3A_391 = arith.addf %add3A_389, %slice3A_390 : vector<8x1024xf32>
    %lt3A_392 = arith.cmpf olt, %add3A_391, %select_n3A_382 : vector<8x1024xf32>
    %select_n3A_393 = arith.select %lt3A_392, %add3A_391, %select_n3A_382 : vector<8x1024xi1>, vector<8x1024xf32>
    %jit3A_394 = arith.constant 34 : i32
    %broadcast_in_dim3A_395 = vector.broadcast %jit3A_394 : i32 to vector<8x1024xi32>
    %select_n3A_396 = arith.select %lt3A_392, %broadcast_in_dim3A_395, %select_n3A_385 : vector<8x1024xi1>, vector<8x1024xi32>
    %slice3A_397 = vector.extract_strided_slice %slice3A {offsets = [280, 0], sizes = [8, 1], strides = [1, 1]} : vector<1024x1xf32> to vector<8x1xf32>
    %add3A_398 = vector.broadcast %slice3A_397 : vector<8x1xf32> to vector<8x1024xf32>
    %add3A_399 = vector.broadcast %broadcast_in_dim3A : vector<1x1024xf32> to vector<8x1024xf32>
    %add3A_400 = arith.addf %add3A_398, %add3A_399 : vector<8x1024xf32>
    %slice3A_401 = vector.extract_strided_slice %dot_general3A_18 {offsets = [280, 0], sizes = [8, 1024], strides = [1, 1]} : vector<1024x1024xf32> to vector<8x1024xf32>
    %add3A_402 = arith.addf %add3A_400, %slice3A_401 : vector<8x1024xf32>
    %lt3A_403 = arith.cmpf olt, %add3A_402, %select_n3A_393 : vector<8x1024xf32>
    %select_n3A_404 = arith.select %lt3A_403, %add3A_402, %select_n3A_393 : vector<8x1024xi1>, vector<8x1024xf32>
    %jit3A_405 = arith.constant 35 : i32
    %broadcast_in_dim3A_406 = vector.broadcast %jit3A_405 : i32 to vector<8x1024xi32>
    %select_n3A_407 = arith.select %lt3A_403, %broadcast_in_dim3A_406, %select_n3A_396 : vector<8x1024xi1>, vector<8x1024xi32>
    %slice3A_408 = vector.extract_strided_slice %slice3A {offsets = [288, 0], sizes = [8, 1], strides = [1, 1]} : vector<1024x1xf32> to vector<8x1xf32>
    %add3A_409 = vector.broadcast %slice3A_408 : vector<8x1xf32> to vector<8x1024xf32>
    %add3A_410 = vector.broadcast %broadcast_in_dim3A : vector<1x1024xf32> to vector<8x1024xf32>
    %add3A_411 = arith.addf %add3A_409, %add3A_410 : vector<8x1024xf32>
    %slice3A_412 = vector.extract_strided_slice %dot_general3A_18 {offsets = [288, 0], sizes = [8, 1024], strides = [1, 1]} : vector<1024x1024xf32> to vector<8x1024xf32>
    %add3A_413 = arith.addf %add3A_411, %slice3A_412 : vector<8x1024xf32>
    %lt3A_414 = arith.cmpf olt, %add3A_413, %select_n3A_404 : vector<8x1024xf32>
    %select_n3A_415 = arith.select %lt3A_414, %add3A_413, %select_n3A_404 : vector<8x1024xi1>, vector<8x1024xf32>
    %jit3A_416 = arith.constant 36 : i32
    %broadcast_in_dim3A_417 = vector.broadcast %jit3A_416 : i32 to vector<8x1024xi32>
    %select_n3A_418 = arith.select %lt3A_414, %broadcast_in_dim3A_417, %select_n3A_407 : vector<8x1024xi1>, vector<8x1024xi32>
    %slice3A_419 = vector.extract_strided_slice %slice3A {offsets = [296, 0], sizes = [8, 1], strides = [1, 1]} : vector<1024x1xf32> to vector<8x1xf32>
    %add3A_420 = vector.broadcast %slice3A_419 : vector<8x1xf32> to vector<8x1024xf32>
    %add3A_421 = vector.broadcast %broadcast_in_dim3A : vector<1x1024xf32> to vector<8x1024xf32>
    %add3A_422 = arith.addf %add3A_420, %add3A_421 : vector<8x1024xf32>
    %slice3A_423 = vector.extract_strided_slice %dot_general3A_18 {offsets = [296, 0], sizes = [8, 1024], strides = [1, 1]} : vector<1024x1024xf32> to vector<8x1024xf32>
    %add3A_424 = arith.addf %add3A_422, %slice3A_423 : vector<8x1024xf32>
    %lt3A_425 = arith.cmpf olt, %add3A_424, %select_n3A_415 : vector<8x1024xf32>
    %select_n3A_426 = arith.select %lt3A_425, %add3A_424, %select_n3A_415 : vector<8x1024xi1>, vector<8x1024xf32>
    %jit3A_427 = arith.constant 37 : i32
    %broadcast_in_dim3A_428 = vector.broadcast %jit3A_427 : i32 to vector<8x1024xi32>
    %select_n3A_429 = arith.select %lt3A_425, %broadcast_in_dim3A_428, %select_n3A_418 : vector<8x1024xi1>, vector<8x1024xi32>
    %slice3A_430 = vector.extract_strided_slice %slice3A {offsets = [304, 0], sizes = [8, 1], strides = [1, 1]} : vector<1024x1xf32> to vector<8x1xf32>
    %add3A_431 = vector.broadcast %slice3A_430 : vector<8x1xf32> to vector<8x1024xf32>
    %add3A_432 = vector.broadcast %broadcast_in_dim3A : vector<1x1024xf32> to vector<8x1024xf32>
    %add3A_433 = arith.addf %add3A_431, %add3A_432 : vector<8x1024xf32>
    %slice3A_434 = vector.extract_strided_slice %dot_general3A_18 {offsets = [304, 0], sizes = [8, 1024], strides = [1, 1]} : vector<1024x1024xf32> to vector<8x1024xf32>
    %add3A_435 = arith.addf %add3A_433, %slice3A_434 : vector<8x1024xf32>
    %lt3A_436 = arith.cmpf olt, %add3A_435, %select_n3A_426 : vector<8x1024xf32>
    %select_n3A_437 = arith.select %lt3A_436, %add3A_435, %select_n3A_426 : vector<8x1024xi1>, vector<8x1024xf32>
    %jit3A_438 = arith.constant 38 : i32
    %broadcast_in_dim3A_439 = vector.broadcast %jit3A_438 : i32 to vector<8x1024xi32>
    %select_n3A_440 = arith.select %lt3A_436, %broadcast_in_dim3A_439, %select_n3A_429 : vector<8x1024xi1>, vector<8x1024xi32>
    %slice3A_441 = vector.extract_strided_slice %slice3A {offsets = [312, 0], sizes = [8, 1], strides = [1, 1]} : vector<1024x1xf32> to vector<8x1xf32>
    %add3A_442 = vector.broadcast %slice3A_441 : vector<8x1xf32> to vector<8x1024xf32>
    %add3A_443 = vector.broadcast %broadcast_in_dim3A : vector<1x1024xf32> to vector<8x1024xf32>
    %add3A_444 = arith.addf %add3A_442, %add3A_443 : vector<8x1024xf32>
    %slice3A_445 = vector.extract_strided_slice %dot_general3A_18 {offsets = [312, 0], sizes = [8, 1024], strides = [1, 1]} : vector<1024x1024xf32> to vector<8x1024xf32>
    %add3A_446 = arith.addf %add3A_444, %slice3A_445 : vector<8x1024xf32>
    %lt3A_447 = arith.cmpf olt, %add3A_446, %select_n3A_437 : vector<8x1024xf32>
    %select_n3A_448 = arith.select %lt3A_447, %add3A_446, %select_n3A_437 : vector<8x1024xi1>, vector<8x1024xf32>
    %jit3A_449 = arith.constant 39 : i32
    %broadcast_in_dim3A_450 = vector.broadcast %jit3A_449 : i32 to vector<8x1024xi32>
    %select_n3A_451 = arith.select %lt3A_447, %broadcast_in_dim3A_450, %select_n3A_440 : vector<8x1024xi1>, vector<8x1024xi32>
    %slice3A_452 = vector.extract_strided_slice %slice3A {offsets = [320, 0], sizes = [8, 1], strides = [1, 1]} : vector<1024x1xf32> to vector<8x1xf32>
    %add3A_453 = vector.broadcast %slice3A_452 : vector<8x1xf32> to vector<8x1024xf32>
    %add3A_454 = vector.broadcast %broadcast_in_dim3A : vector<1x1024xf32> to vector<8x1024xf32>
    %add3A_455 = arith.addf %add3A_453, %add3A_454 : vector<8x1024xf32>
    %slice3A_456 = vector.extract_strided_slice %dot_general3A_18 {offsets = [320, 0], sizes = [8, 1024], strides = [1, 1]} : vector<1024x1024xf32> to vector<8x1024xf32>
    %add3A_457 = arith.addf %add3A_455, %slice3A_456 : vector<8x1024xf32>
    %lt3A_458 = arith.cmpf olt, %add3A_457, %select_n3A_448 : vector<8x1024xf32>
    %select_n3A_459 = arith.select %lt3A_458, %add3A_457, %select_n3A_448 : vector<8x1024xi1>, vector<8x1024xf32>
    %jit3A_460 = arith.constant 40 : i32
    %broadcast_in_dim3A_461 = vector.broadcast %jit3A_460 : i32 to vector<8x1024xi32>
    %select_n3A_462 = arith.select %lt3A_458, %broadcast_in_dim3A_461, %select_n3A_451 : vector<8x1024xi1>, vector<8x1024xi32>
    %slice3A_463 = vector.extract_strided_slice %slice3A {offsets = [328, 0], sizes = [8, 1], strides = [1, 1]} : vector<1024x1xf32> to vector<8x1xf32>
    %add3A_464 = vector.broadcast %slice3A_463 : vector<8x1xf32> to vector<8x1024xf32>
    %add3A_465 = vector.broadcast %broadcast_in_dim3A : vector<1x1024xf32> to vector<8x1024xf32>
    %add3A_466 = arith.addf %add3A_464, %add3A_465 : vector<8x1024xf32>
    %slice3A_467 = vector.extract_strided_slice %dot_general3A_18 {offsets = [328, 0], sizes = [8, 1024], strides = [1, 1]} : vector<1024x1024xf32> to vector<8x1024xf32>
    %add3A_468 = arith.addf %add3A_466, %slice3A_467 : vector<8x1024xf32>
    %lt3A_469 = arith.cmpf olt, %add3A_468, %select_n3A_459 : vector<8x1024xf32>
    %select_n3A_470 = arith.select %lt3A_469, %add3A_468, %select_n3A_459 : vector<8x1024xi1>, vector<8x1024xf32>
    %jit3A_471 = arith.constant 41 : i32
    %broadcast_in_dim3A_472 = vector.broadcast %jit3A_471 : i32 to vector<8x1024xi32>
    %select_n3A_473 = arith.select %lt3A_469, %broadcast_in_dim3A_472, %select_n3A_462 : vector<8x1024xi1>, vector<8x1024xi32>
    %slice3A_474 = vector.extract_strided_slice %slice3A {offsets = [336, 0], sizes = [8, 1], strides = [1, 1]} : vector<1024x1xf32> to vector<8x1xf32>
    %add3A_475 = vector.broadcast %slice3A_474 : vector<8x1xf32> to vector<8x1024xf32>
    %add3A_476 = vector.broadcast %broadcast_in_dim3A : vector<1x1024xf32> to vector<8x1024xf32>
    %add3A_477 = arith.addf %add3A_475, %add3A_476 : vector<8x1024xf32>
    %slice3A_478 = vector.extract_strided_slice %dot_general3A_18 {offsets = [336, 0], sizes = [8, 1024], strides = [1, 1]} : vector<1024x1024xf32> to vector<8x1024xf32>
    %add3A_479 = arith.addf %add3A_477, %slice3A_478 : vector<8x1024xf32>
    %lt3A_480 = arith.cmpf olt, %add3A_479, %select_n3A_470 : vector<8x1024xf32>
    %select_n3A_481 = arith.select %lt3A_480, %add3A_479, %select_n3A_470 : vector<8x1024xi1>, vector<8x1024xf32>
    %jit3A_482 = arith.constant 42 : i32
    %broadcast_in_dim3A_483 = vector.broadcast %jit3A_482 : i32 to vector<8x1024xi32>
    %select_n3A_484 = arith.select %lt3A_480, %broadcast_in_dim3A_483, %select_n3A_473 : vector<8x1024xi1>, vector<8x1024xi32>
    %slice3A_485 = vector.extract_strided_slice %slice3A {offsets = [344, 0], sizes = [8, 1], strides = [1, 1]} : vector<1024x1xf32> to vector<8x1xf32>
    %add3A_486 = vector.broadcast %slice3A_485 : vector<8x1xf32> to vector<8x1024xf32>
    %add3A_487 = vector.broadcast %broadcast_in_dim3A : vector<1x1024xf32> to vector<8x1024xf32>
    %add3A_488 = arith.addf %add3A_486, %add3A_487 : vector<8x1024xf32>
    %slice3A_489 = vector.extract_strided_slice %dot_general3A_18 {offsets = [344, 0], sizes = [8, 1024], strides = [1, 1]} : vector<1024x1024xf32> to vector<8x1024xf32>
    %add3A_490 = arith.addf %add3A_488, %slice3A_489 : vector<8x1024xf32>
    %lt3A_491 = arith.cmpf olt, %add3A_490, %select_n3A_481 : vector<8x1024xf32>
    %select_n3A_492 = arith.select %lt3A_491, %add3A_490, %select_n3A_481 : vector<8x1024xi1>, vector<8x1024xf32>
    %jit3A_493 = arith.constant 43 : i32
    %broadcast_in_dim3A_494 = vector.broadcast %jit3A_493 : i32 to vector<8x1024xi32>
    %select_n3A_495 = arith.select %lt3A_491, %broadcast_in_dim3A_494, %select_n3A_484 : vector<8x1024xi1>, vector<8x1024xi32>
    %slice3A_496 = vector.extract_strided_slice %slice3A {offsets = [352, 0], sizes = [8, 1], strides = [1, 1]} : vector<1024x1xf32> to vector<8x1xf32>
    %add3A_497 = vector.broadcast %slice3A_496 : vector<8x1xf32> to vector<8x1024xf32>
    %add3A_498 = vector.broadcast %broadcast_in_dim3A : vector<1x1024xf32> to vector<8x1024xf32>
    %add3A_499 = arith.addf %add3A_497, %add3A_498 : vector<8x1024xf32>
    %slice3A_500 = vector.extract_strided_slice %dot_general3A_18 {offsets = [352, 0], sizes = [8, 1024], strides = [1, 1]} : vector<1024x1024xf32> to vector<8x1024xf32>
    %add3A_501 = arith.addf %add3A_499, %slice3A_500 : vector<8x1024xf32>
    %lt3A_502 = arith.cmpf olt, %add3A_501, %select_n3A_492 : vector<8x1024xf32>
    %select_n3A_503 = arith.select %lt3A_502, %add3A_501, %select_n3A_492 : vector<8x1024xi1>, vector<8x1024xf32>
    %jit3A_504 = arith.constant 44 : i32
    %broadcast_in_dim3A_505 = vector.broadcast %jit3A_504 : i32 to vector<8x1024xi32>
    %select_n3A_506 = arith.select %lt3A_502, %broadcast_in_dim3A_505, %select_n3A_495 : vector<8x1024xi1>, vector<8x1024xi32>
    %slice3A_507 = vector.extract_strided_slice %slice3A {offsets = [360, 0], sizes = [8, 1], strides = [1, 1]} : vector<1024x1xf32> to vector<8x1xf32>
    %add3A_508 = vector.broadcast %slice3A_507 : vector<8x1xf32> to vector<8x1024xf32>
    %add3A_509 = vector.broadcast %broadcast_in_dim3A : vector<1x1024xf32> to vector<8x1024xf32>
    %add3A_510 = arith.addf %add3A_508, %add3A_509 : vector<8x1024xf32>
    %slice3A_511 = vector.extract_strided_slice %dot_general3A_18 {offsets = [360, 0], sizes = [8, 1024], strides = [1, 1]} : vector<1024x1024xf32> to vector<8x1024xf32>
    %add3A_512 = arith.addf %add3A_510, %slice3A_511 : vector<8x1024xf32>
    %lt3A_513 = arith.cmpf olt, %add3A_512, %select_n3A_503 : vector<8x1024xf32>
    %select_n3A_514 = arith.select %lt3A_513, %add3A_512, %select_n3A_503 : vector<8x1024xi1>, vector<8x1024xf32>
    %jit3A_515 = arith.constant 45 : i32
    %broadcast_in_dim3A_516 = vector.broadcast %jit3A_515 : i32 to vector<8x1024xi32>
    %select_n3A_517 = arith.select %lt3A_513, %broadcast_in_dim3A_516, %select_n3A_506 : vector<8x1024xi1>, vector<8x1024xi32>
    %slice3A_518 = vector.extract_strided_slice %slice3A {offsets = [368, 0], sizes = [8, 1], strides = [1, 1]} : vector<1024x1xf32> to vector<8x1xf32>
    %add3A_519 = vector.broadcast %slice3A_518 : vector<8x1xf32> to vector<8x1024xf32>
    %add3A_520 = vector.broadcast %broadcast_in_dim3A : vector<1x1024xf32> to vector<8x1024xf32>
    %add3A_521 = arith.addf %add3A_519, %add3A_520 : vector<8x1024xf32>
    %slice3A_522 = vector.extract_strided_slice %dot_general3A_18 {offsets = [368, 0], sizes = [8, 1024], strides = [1, 1]} : vector<1024x1024xf32> to vector<8x1024xf32>
    %add3A_523 = arith.addf %add3A_521, %slice3A_522 : vector<8x1024xf32>
    %lt3A_524 = arith.cmpf olt, %add3A_523, %select_n3A_514 : vector<8x1024xf32>
    %select_n3A_525 = arith.select %lt3A_524, %add3A_523, %select_n3A_514 : vector<8x1024xi1>, vector<8x1024xf32>
    %jit3A_526 = arith.constant 46 : i32
    %broadcast_in_dim3A_527 = vector.broadcast %jit3A_526 : i32 to vector<8x1024xi32>
    %select_n3A_528 = arith.select %lt3A_524, %broadcast_in_dim3A_527, %select_n3A_517 : vector<8x1024xi1>, vector<8x1024xi32>
    %slice3A_529 = vector.extract_strided_slice %slice3A {offsets = [376, 0], sizes = [8, 1], strides = [1, 1]} : vector<1024x1xf32> to vector<8x1xf32>
    %add3A_530 = vector.broadcast %slice3A_529 : vector<8x1xf32> to vector<8x1024xf32>
    %add3A_531 = vector.broadcast %broadcast_in_dim3A : vector<1x1024xf32> to vector<8x1024xf32>
    %add3A_532 = arith.addf %add3A_530, %add3A_531 : vector<8x1024xf32>
    %slice3A_533 = vector.extract_strided_slice %dot_general3A_18 {offsets = [376, 0], sizes = [8, 1024], strides = [1, 1]} : vector<1024x1024xf32> to vector<8x1024xf32>
    %add3A_534 = arith.addf %add3A_532, %slice3A_533 : vector<8x1024xf32>
    %lt3A_535 = arith.cmpf olt, %add3A_534, %select_n3A_525 : vector<8x1024xf32>
    %select_n3A_536 = arith.select %lt3A_535, %add3A_534, %select_n3A_525 : vector<8x1024xi1>, vector<8x1024xf32>
    %jit3A_537 = arith.constant 47 : i32
    %broadcast_in_dim3A_538 = vector.broadcast %jit3A_537 : i32 to vector<8x1024xi32>
    %select_n3A_539 = arith.select %lt3A_535, %broadcast_in_dim3A_538, %select_n3A_528 : vector<8x1024xi1>, vector<8x1024xi32>
    %slice3A_540 = vector.extract_strided_slice %slice3A {offsets = [384, 0], sizes = [8, 1], strides = [1, 1]} : vector<1024x1xf32> to vector<8x1xf32>
    %add3A_541 = vector.broadcast %slice3A_540 : vector<8x1xf32> to vector<8x1024xf32>
    %add3A_542 = vector.broadcast %broadcast_in_dim3A : vector<1x1024xf32> to vector<8x1024xf32>
    %add3A_543 = arith.addf %add3A_541, %add3A_542 : vector<8x1024xf32>
    %slice3A_544 = vector.extract_strided_slice %dot_general3A_18 {offsets = [384, 0], sizes = [8, 1024], strides = [1, 1]} : vector<1024x1024xf32> to vector<8x1024xf32>
    %add3A_545 = arith.addf %add3A_543, %slice3A_544 : vector<8x1024xf32>
    %lt3A_546 = arith.cmpf olt, %add3A_545, %select_n3A_536 : vector<8x1024xf32>
    %select_n3A_547 = arith.select %lt3A_546, %add3A_545, %select_n3A_536 : vector<8x1024xi1>, vector<8x1024xf32>
    %jit3A_548 = arith.constant 48 : i32
    %broadcast_in_dim3A_549 = vector.broadcast %jit3A_548 : i32 to vector<8x1024xi32>
    %select_n3A_550 = arith.select %lt3A_546, %broadcast_in_dim3A_549, %select_n3A_539 : vector<8x1024xi1>, vector<8x1024xi32>
    %slice3A_551 = vector.extract_strided_slice %slice3A {offsets = [392, 0], sizes = [8, 1], strides = [1, 1]} : vector<1024x1xf32> to vector<8x1xf32>
    %add3A_552 = vector.broadcast %slice3A_551 : vector<8x1xf32> to vector<8x1024xf32>
    %add3A_553 = vector.broadcast %broadcast_in_dim3A : vector<1x1024xf32> to vector<8x1024xf32>
    %add3A_554 = arith.addf %add3A_552, %add3A_553 : vector<8x1024xf32>
    %slice3A_555 = vector.extract_strided_slice %dot_general3A_18 {offsets = [392, 0], sizes = [8, 1024], strides = [1, 1]} : vector<1024x1024xf32> to vector<8x1024xf32>
    %add3A_556 = arith.addf %add3A_554, %slice3A_555 : vector<8x1024xf32>
    %lt3A_557 = arith.cmpf olt, %add3A_556, %select_n3A_547 : vector<8x1024xf32>
    %select_n3A_558 = arith.select %lt3A_557, %add3A_556, %select_n3A_547 : vector<8x1024xi1>, vector<8x1024xf32>
    %jit3A_559 = arith.constant 49 : i32
    %broadcast_in_dim3A_560 = vector.broadcast %jit3A_559 : i32 to vector<8x1024xi32>
    %select_n3A_561 = arith.select %lt3A_557, %broadcast_in_dim3A_560, %select_n3A_550 : vector<8x1024xi1>, vector<8x1024xi32>
    %slice3A_562 = vector.extract_strided_slice %slice3A {offsets = [400, 0], sizes = [8, 1], strides = [1, 1]} : vector<1024x1xf32> to vector<8x1xf32>
    %add3A_563 = vector.broadcast %slice3A_562 : vector<8x1xf32> to vector<8x1024xf32>
    %add3A_564 = vector.broadcast %broadcast_in_dim3A : vector<1x1024xf32> to vector<8x1024xf32>
    %add3A_565 = arith.addf %add3A_563, %add3A_564 : vector<8x1024xf32>
    %slice3A_566 = vector.extract_strided_slice %dot_general3A_18 {offsets = [400, 0], sizes = [8, 1024], strides = [1, 1]} : vector<1024x1024xf32> to vector<8x1024xf32>
    %add3A_567 = arith.addf %add3A_565, %slice3A_566 : vector<8x1024xf32>
    %lt3A_568 = arith.cmpf olt, %add3A_567, %select_n3A_558 : vector<8x1024xf32>
    %select_n3A_569 = arith.select %lt3A_568, %add3A_567, %select_n3A_558 : vector<8x1024xi1>, vector<8x1024xf32>
    %jit3A_570 = arith.constant 50 : i32
    %broadcast_in_dim3A_571 = vector.broadcast %jit3A_570 : i32 to vector<8x1024xi32>
    %select_n3A_572 = arith.select %lt3A_568, %broadcast_in_dim3A_571, %select_n3A_561 : vector<8x1024xi1>, vector<8x1024xi32>
    %slice3A_573 = vector.extract_strided_slice %slice3A {offsets = [408, 0], sizes = [8, 1], strides = [1, 1]} : vector<1024x1xf32> to vector<8x1xf32>
    %add3A_574 = vector.broadcast %slice3A_573 : vector<8x1xf32> to vector<8x1024xf32>
    %add3A_575 = vector.broadcast %broadcast_in_dim3A : vector<1x1024xf32> to vector<8x1024xf32>
    %add3A_576 = arith.addf %add3A_574, %add3A_575 : vector<8x1024xf32>
    %slice3A_577 = vector.extract_strided_slice %dot_general3A_18 {offsets = [408, 0], sizes = [8, 1024], strides = [1, 1]} : vector<1024x1024xf32> to vector<8x1024xf32>
    %add3A_578 = arith.addf %add3A_576, %slice3A_577 : vector<8x1024xf32>
    %lt3A_579 = arith.cmpf olt, %add3A_578, %select_n3A_569 : vector<8x1024xf32>
    %select_n3A_580 = arith.select %lt3A_579, %add3A_578, %select_n3A_569 : vector<8x1024xi1>, vector<8x1024xf32>
    %jit3A_581 = arith.constant 51 : i32
    %broadcast_in_dim3A_582 = vector.broadcast %jit3A_581 : i32 to vector<8x1024xi32>
    %select_n3A_583 = arith.select %lt3A_579, %broadcast_in_dim3A_582, %select_n3A_572 : vector<8x1024xi1>, vector<8x1024xi32>
    %slice3A_584 = vector.extract_strided_slice %slice3A {offsets = [416, 0], sizes = [8, 1], strides = [1, 1]} : vector<1024x1xf32> to vector<8x1xf32>
    %add3A_585 = vector.broadcast %slice3A_584 : vector<8x1xf32> to vector<8x1024xf32>
    %add3A_586 = vector.broadcast %broadcast_in_dim3A : vector<1x1024xf32> to vector<8x1024xf32>
    %add3A_587 = arith.addf %add3A_585, %add3A_586 : vector<8x1024xf32>
    %slice3A_588 = vector.extract_strided_slice %dot_general3A_18 {offsets = [416, 0], sizes = [8, 1024], strides = [1, 1]} : vector<1024x1024xf32> to vector<8x1024xf32>
    %add3A_589 = arith.addf %add3A_587, %slice3A_588 : vector<8x1024xf32>
    %lt3A_590 = arith.cmpf olt, %add3A_589, %select_n3A_580 : vector<8x1024xf32>
    %select_n3A_591 = arith.select %lt3A_590, %add3A_589, %select_n3A_580 : vector<8x1024xi1>, vector<8x1024xf32>
    %jit3A_592 = arith.constant 52 : i32
    %broadcast_in_dim3A_593 = vector.broadcast %jit3A_592 : i32 to vector<8x1024xi32>
    %select_n3A_594 = arith.select %lt3A_590, %broadcast_in_dim3A_593, %select_n3A_583 : vector<8x1024xi1>, vector<8x1024xi32>
    %slice3A_595 = vector.extract_strided_slice %slice3A {offsets = [424, 0], sizes = [8, 1], strides = [1, 1]} : vector<1024x1xf32> to vector<8x1xf32>
    %add3A_596 = vector.broadcast %slice3A_595 : vector<8x1xf32> to vector<8x1024xf32>
    %add3A_597 = vector.broadcast %broadcast_in_dim3A : vector<1x1024xf32> to vector<8x1024xf32>
    %add3A_598 = arith.addf %add3A_596, %add3A_597 : vector<8x1024xf32>
    %slice3A_599 = vector.extract_strided_slice %dot_general3A_18 {offsets = [424, 0], sizes = [8, 1024], strides = [1, 1]} : vector<1024x1024xf32> to vector<8x1024xf32>
    %add3A_600 = arith.addf %add3A_598, %slice3A_599 : vector<8x1024xf32>
    %lt3A_601 = arith.cmpf olt, %add3A_600, %select_n3A_591 : vector<8x1024xf32>
    %select_n3A_602 = arith.select %lt3A_601, %add3A_600, %select_n3A_591 : vector<8x1024xi1>, vector<8x1024xf32>
    %jit3A_603 = arith.constant 53 : i32
    %broadcast_in_dim3A_604 = vector.broadcast %jit3A_603 : i32 to vector<8x1024xi32>
    %select_n3A_605 = arith.select %lt3A_601, %broadcast_in_dim3A_604, %select_n3A_594 : vector<8x1024xi1>, vector<8x1024xi32>
    %slice3A_606 = vector.extract_strided_slice %slice3A {offsets = [432, 0], sizes = [8, 1], strides = [1, 1]} : vector<1024x1xf32> to vector<8x1xf32>
    %add3A_607 = vector.broadcast %slice3A_606 : vector<8x1xf32> to vector<8x1024xf32>
    %add3A_608 = vector.broadcast %broadcast_in_dim3A : vector<1x1024xf32> to vector<8x1024xf32>
    %add3A_609 = arith.addf %add3A_607, %add3A_608 : vector<8x1024xf32>
    %slice3A_610 = vector.extract_strided_slice %dot_general3A_18 {offsets = [432, 0], sizes = [8, 1024], strides = [1, 1]} : vector<1024x1024xf32> to vector<8x1024xf32>
    %add3A_611 = arith.addf %add3A_609, %slice3A_610 : vector<8x1024xf32>
    %lt3A_612 = arith.cmpf olt, %add3A_611, %select_n3A_602 : vector<8x1024xf32>
    %select_n3A_613 = arith.select %lt3A_612, %add3A_611, %select_n3A_602 : vector<8x1024xi1>, vector<8x1024xf32>
    %jit3A_614 = arith.constant 54 : i32
    %broadcast_in_dim3A_615 = vector.broadcast %jit3A_614 : i32 to vector<8x1024xi32>
    %select_n3A_616 = arith.select %lt3A_612, %broadcast_in_dim3A_615, %select_n3A_605 : vector<8x1024xi1>, vector<8x1024xi32>
    %slice3A_617 = vector.extract_strided_slice %slice3A {offsets = [440, 0], sizes = [8, 1], strides = [1, 1]} : vector<1024x1xf32> to vector<8x1xf32>
    %add3A_618 = vector.broadcast %slice3A_617 : vector<8x1xf32> to vector<8x1024xf32>
    %add3A_619 = vector.broadcast %broadcast_in_dim3A : vector<1x1024xf32> to vector<8x1024xf32>
    %add3A_620 = arith.addf %add3A_618, %add3A_619 : vector<8x1024xf32>
    %slice3A_621 = vector.extract_strided_slice %dot_general3A_18 {offsets = [440, 0], sizes = [8, 1024], strides = [1, 1]} : vector<1024x1024xf32> to vector<8x1024xf32>
    %add3A_622 = arith.addf %add3A_620, %slice3A_621 : vector<8x1024xf32>
    %lt3A_623 = arith.cmpf olt, %add3A_622, %select_n3A_613 : vector<8x1024xf32>
    %select_n3A_624 = arith.select %lt3A_623, %add3A_622, %select_n3A_613 : vector<8x1024xi1>, vector<8x1024xf32>
    %jit3A_625 = arith.constant 55 : i32
    %broadcast_in_dim3A_626 = vector.broadcast %jit3A_625 : i32 to vector<8x1024xi32>
    %select_n3A_627 = arith.select %lt3A_623, %broadcast_in_dim3A_626, %select_n3A_616 : vector<8x1024xi1>, vector<8x1024xi32>
    %slice3A_628 = vector.extract_strided_slice %slice3A {offsets = [448, 0], sizes = [8, 1], strides = [1, 1]} : vector<1024x1xf32> to vector<8x1xf32>
    %add3A_629 = vector.broadcast %slice3A_628 : vector<8x1xf32> to vector<8x1024xf32>
    %add3A_630 = vector.broadcast %broadcast_in_dim3A : vector<1x1024xf32> to vector<8x1024xf32>
    %add3A_631 = arith.addf %add3A_629, %add3A_630 : vector<8x1024xf32>
    %slice3A_632 = vector.extract_strided_slice %dot_general3A_18 {offsets = [448, 0], sizes = [8, 1024], strides = [1, 1]} : vector<1024x1024xf32> to vector<8x1024xf32>
    %add3A_633 = arith.addf %add3A_631, %slice3A_632 : vector<8x1024xf32>
    %lt3A_634 = arith.cmpf olt, %add3A_633, %select_n3A_624 : vector<8x1024xf32>
    %select_n3A_635 = arith.select %lt3A_634, %add3A_633, %select_n3A_624 : vector<8x1024xi1>, vector<8x1024xf32>
    %jit3A_636 = arith.constant 56 : i32
    %broadcast_in_dim3A_637 = vector.broadcast %jit3A_636 : i32 to vector<8x1024xi32>
    %select_n3A_638 = arith.select %lt3A_634, %broadcast_in_dim3A_637, %select_n3A_627 : vector<8x1024xi1>, vector<8x1024xi32>
    %slice3A_639 = vector.extract_strided_slice %slice3A {offsets = [456, 0], sizes = [8, 1], strides = [1, 1]} : vector<1024x1xf32> to vector<8x1xf32>
    %add3A_640 = vector.broadcast %slice3A_639 : vector<8x1xf32> to vector<8x1024xf32>
    %add3A_641 = vector.broadcast %broadcast_in_dim3A : vector<1x1024xf32> to vector<8x1024xf32>
    %add3A_642 = arith.addf %add3A_640, %add3A_641 : vector<8x1024xf32>
    %slice3A_643 = vector.extract_strided_slice %dot_general3A_18 {offsets = [456, 0], sizes = [8, 1024], strides = [1, 1]} : vector<1024x1024xf32> to vector<8x1024xf32>
    %add3A_644 = arith.addf %add3A_642, %slice3A_643 : vector<8x1024xf32>
    %lt3A_645 = arith.cmpf olt, %add3A_644, %select_n3A_635 : vector<8x1024xf32>
    %select_n3A_646 = arith.select %lt3A_645, %add3A_644, %select_n3A_635 : vector<8x1024xi1>, vector<8x1024xf32>
    %jit3A_647 = arith.constant 57 : i32
    %broadcast_in_dim3A_648 = vector.broadcast %jit3A_647 : i32 to vector<8x1024xi32>
    %select_n3A_649 = arith.select %lt3A_645, %broadcast_in_dim3A_648, %select_n3A_638 : vector<8x1024xi1>, vector<8x1024xi32>
    %slice3A_650 = vector.extract_strided_slice %slice3A {offsets = [464, 0], sizes = [8, 1], strides = [1, 1]} : vector<1024x1xf32> to vector<8x1xf32>
    %add3A_651 = vector.broadcast %slice3A_650 : vector<8x1xf32> to vector<8x1024xf32>
    %add3A_652 = vector.broadcast %broadcast_in_dim3A : vector<1x1024xf32> to vector<8x1024xf32>
    %add3A_653 = arith.addf %add3A_651, %add3A_652 : vector<8x1024xf32>
    %slice3A_654 = vector.extract_strided_slice %dot_general3A_18 {offsets = [464, 0], sizes = [8, 1024], strides = [1, 1]} : vector<1024x1024xf32> to vector<8x1024xf32>
    %add3A_655 = arith.addf %add3A_653, %slice3A_654 : vector<8x1024xf32>
    %lt3A_656 = arith.cmpf olt, %add3A_655, %select_n3A_646 : vector<8x1024xf32>
    %select_n3A_657 = arith.select %lt3A_656, %add3A_655, %select_n3A_646 : vector<8x1024xi1>, vector<8x1024xf32>
    %jit3A_658 = arith.constant 58 : i32
    %broadcast_in_dim3A_659 = vector.broadcast %jit3A_658 : i32 to vector<8x1024xi32>
    %select_n3A_660 = arith.select %lt3A_656, %broadcast_in_dim3A_659, %select_n3A_649 : vector<8x1024xi1>, vector<8x1024xi32>
    %slice3A_661 = vector.extract_strided_slice %slice3A {offsets = [472, 0], sizes = [8, 1], strides = [1, 1]} : vector<1024x1xf32> to vector<8x1xf32>
    %add3A_662 = vector.broadcast %slice3A_661 : vector<8x1xf32> to vector<8x1024xf32>
    %add3A_663 = vector.broadcast %broadcast_in_dim3A : vector<1x1024xf32> to vector<8x1024xf32>
    %add3A_664 = arith.addf %add3A_662, %add3A_663 : vector<8x1024xf32>
    %slice3A_665 = vector.extract_strided_slice %dot_general3A_18 {offsets = [472, 0], sizes = [8, 1024], strides = [1, 1]} : vector<1024x1024xf32> to vector<8x1024xf32>
    %add3A_666 = arith.addf %add3A_664, %slice3A_665 : vector<8x1024xf32>
    %lt3A_667 = arith.cmpf olt, %add3A_666, %select_n3A_657 : vector<8x1024xf32>
    %select_n3A_668 = arith.select %lt3A_667, %add3A_666, %select_n3A_657 : vector<8x1024xi1>, vector<8x1024xf32>
    %jit3A_669 = arith.constant 59 : i32
    %broadcast_in_dim3A_670 = vector.broadcast %jit3A_669 : i32 to vector<8x1024xi32>
    %select_n3A_671 = arith.select %lt3A_667, %broadcast_in_dim3A_670, %select_n3A_660 : vector<8x1024xi1>, vector<8x1024xi32>
    %slice3A_672 = vector.extract_strided_slice %slice3A {offsets = [480, 0], sizes = [8, 1], strides = [1, 1]} : vector<1024x1xf32> to vector<8x1xf32>
    %add3A_673 = vector.broadcast %slice3A_672 : vector<8x1xf32> to vector<8x1024xf32>
    %add3A_674 = vector.broadcast %broadcast_in_dim3A : vector<1x1024xf32> to vector<8x1024xf32>
    %add3A_675 = arith.addf %add3A_673, %add3A_674 : vector<8x1024xf32>
    %slice3A_676 = vector.extract_strided_slice %dot_general3A_18 {offsets = [480, 0], sizes = [8, 1024], strides = [1, 1]} : vector<1024x1024xf32> to vector<8x1024xf32>
    %add3A_677 = arith.addf %add3A_675, %slice3A_676 : vector<8x1024xf32>
    %lt3A_678 = arith.cmpf olt, %add3A_677, %select_n3A_668 : vector<8x1024xf32>
    %select_n3A_679 = arith.select %lt3A_678, %add3A_677, %select_n3A_668 : vector<8x1024xi1>, vector<8x1024xf32>
    %jit3A_680 = arith.constant 60 : i32
    %broadcast_in_dim3A_681 = vector.broadcast %jit3A_680 : i32 to vector<8x1024xi32>
    %select_n3A_682 = arith.select %lt3A_678, %broadcast_in_dim3A_681, %select_n3A_671 : vector<8x1024xi1>, vector<8x1024xi32>
    %slice3A_683 = vector.extract_strided_slice %slice3A {offsets = [488, 0], sizes = [8, 1], strides = [1, 1]} : vector<1024x1xf32> to vector<8x1xf32>
    %add3A_684 = vector.broadcast %slice3A_683 : vector<8x1xf32> to vector<8x1024xf32>
    %add3A_685 = vector.broadcast %broadcast_in_dim3A : vector<1x1024xf32> to vector<8x1024xf32>
    %add3A_686 = arith.addf %add3A_684, %add3A_685 : vector<8x1024xf32>
    %slice3A_687 = vector.extract_strided_slice %dot_general3A_18 {offsets = [488, 0], sizes = [8, 1024], strides = [1, 1]} : vector<1024x1024xf32> to vector<8x1024xf32>
    %add3A_688 = arith.addf %add3A_686, %slice3A_687 : vector<8x1024xf32>
    %lt3A_689 = arith.cmpf olt, %add3A_688, %select_n3A_679 : vector<8x1024xf32>
    %select_n3A_690 = arith.select %lt3A_689, %add3A_688, %select_n3A_679 : vector<8x1024xi1>, vector<8x1024xf32>
    %jit3A_691 = arith.constant 61 : i32
    %broadcast_in_dim3A_692 = vector.broadcast %jit3A_691 : i32 to vector<8x1024xi32>
    %select_n3A_693 = arith.select %lt3A_689, %broadcast_in_dim3A_692, %select_n3A_682 : vector<8x1024xi1>, vector<8x1024xi32>
    %slice3A_694 = vector.extract_strided_slice %slice3A {offsets = [496, 0], sizes = [8, 1], strides = [1, 1]} : vector<1024x1xf32> to vector<8x1xf32>
    %add3A_695 = vector.broadcast %slice3A_694 : vector<8x1xf32> to vector<8x1024xf32>
    %add3A_696 = vector.broadcast %broadcast_in_dim3A : vector<1x1024xf32> to vector<8x1024xf32>
    %add3A_697 = arith.addf %add3A_695, %add3A_696 : vector<8x1024xf32>
    %slice3A_698 = vector.extract_strided_slice %dot_general3A_18 {offsets = [496, 0], sizes = [8, 1024], strides = [1, 1]} : vector<1024x1024xf32> to vector<8x1024xf32>
    %add3A_699 = arith.addf %add3A_697, %slice3A_698 : vector<8x1024xf32>
    %lt3A_700 = arith.cmpf olt, %add3A_699, %select_n3A_690 : vector<8x1024xf32>
    %select_n3A_701 = arith.select %lt3A_700, %add3A_699, %select_n3A_690 : vector<8x1024xi1>, vector<8x1024xf32>
    %jit3A_702 = arith.constant 62 : i32
    %broadcast_in_dim3A_703 = vector.broadcast %jit3A_702 : i32 to vector<8x1024xi32>
    %select_n3A_704 = arith.select %lt3A_700, %broadcast_in_dim3A_703, %select_n3A_693 : vector<8x1024xi1>, vector<8x1024xi32>
    %slice3A_705 = vector.extract_strided_slice %slice3A {offsets = [504, 0], sizes = [8, 1], strides = [1, 1]} : vector<1024x1xf32> to vector<8x1xf32>
    %add3A_706 = vector.broadcast %slice3A_705 : vector<8x1xf32> to vector<8x1024xf32>
    %add3A_707 = vector.broadcast %broadcast_in_dim3A : vector<1x1024xf32> to vector<8x1024xf32>
    %add3A_708 = arith.addf %add3A_706, %add3A_707 : vector<8x1024xf32>
    %slice3A_709 = vector.extract_strided_slice %dot_general3A_18 {offsets = [504, 0], sizes = [8, 1024], strides = [1, 1]} : vector<1024x1024xf32> to vector<8x1024xf32>
    %add3A_710 = arith.addf %add3A_708, %slice3A_709 : vector<8x1024xf32>
    %lt3A_711 = arith.cmpf olt, %add3A_710, %select_n3A_701 : vector<8x1024xf32>
    %select_n3A_712 = arith.select %lt3A_711, %add3A_710, %select_n3A_701 : vector<8x1024xi1>, vector<8x1024xf32>
    %jit3A_713 = arith.constant 63 : i32
    %broadcast_in_dim3A_714 = vector.broadcast %jit3A_713 : i32 to vector<8x1024xi32>
    %select_n3A_715 = arith.select %lt3A_711, %broadcast_in_dim3A_714, %select_n3A_704 : vector<8x1024xi1>, vector<8x1024xi32>
    %slice3A_716 = vector.extract_strided_slice %slice3A {offsets = [512, 0], sizes = [8, 1], strides = [1, 1]} : vector<1024x1xf32> to vector<8x1xf32>
    %add3A_717 = vector.broadcast %slice3A_716 : vector<8x1xf32> to vector<8x1024xf32>
    %add3A_718 = vector.broadcast %broadcast_in_dim3A : vector<1x1024xf32> to vector<8x1024xf32>
    %add3A_719 = arith.addf %add3A_717, %add3A_718 : vector<8x1024xf32>
    %slice3A_720 = vector.extract_strided_slice %dot_general3A_18 {offsets = [512, 0], sizes = [8, 1024], strides = [1, 1]} : vector<1024x1024xf32> to vector<8x1024xf32>
    %add3A_721 = arith.addf %add3A_719, %slice3A_720 : vector<8x1024xf32>
    %lt3A_722 = arith.cmpf olt, %add3A_721, %select_n3A_712 : vector<8x1024xf32>
    %select_n3A_723 = arith.select %lt3A_722, %add3A_721, %select_n3A_712 : vector<8x1024xi1>, vector<8x1024xf32>
    %jit3A_724 = arith.constant 64 : i32
    %broadcast_in_dim3A_725 = vector.broadcast %jit3A_724 : i32 to vector<8x1024xi32>
    %select_n3A_726 = arith.select %lt3A_722, %broadcast_in_dim3A_725, %select_n3A_715 : vector<8x1024xi1>, vector<8x1024xi32>
    %slice3A_727 = vector.extract_strided_slice %slice3A {offsets = [520, 0], sizes = [8, 1], strides = [1, 1]} : vector<1024x1xf32> to vector<8x1xf32>
    %add3A_728 = vector.broadcast %slice3A_727 : vector<8x1xf32> to vector<8x1024xf32>
    %add3A_729 = vector.broadcast %broadcast_in_dim3A : vector<1x1024xf32> to vector<8x1024xf32>
    %add3A_730 = arith.addf %add3A_728, %add3A_729 : vector<8x1024xf32>
    %slice3A_731 = vector.extract_strided_slice %dot_general3A_18 {offsets = [520, 0], sizes = [8, 1024], strides = [1, 1]} : vector<1024x1024xf32> to vector<8x1024xf32>
    %add3A_732 = arith.addf %add3A_730, %slice3A_731 : vector<8x1024xf32>
    %lt3A_733 = arith.cmpf olt, %add3A_732, %select_n3A_723 : vector<8x1024xf32>
    %select_n3A_734 = arith.select %lt3A_733, %add3A_732, %select_n3A_723 : vector<8x1024xi1>, vector<8x1024xf32>
    %jit3A_735 = arith.constant 65 : i32
    %broadcast_in_dim3A_736 = vector.broadcast %jit3A_735 : i32 to vector<8x1024xi32>
    %select_n3A_737 = arith.select %lt3A_733, %broadcast_in_dim3A_736, %select_n3A_726 : vector<8x1024xi1>, vector<8x1024xi32>
    %slice3A_738 = vector.extract_strided_slice %slice3A {offsets = [528, 0], sizes = [8, 1], strides = [1, 1]} : vector<1024x1xf32> to vector<8x1xf32>
    %add3A_739 = vector.broadcast %slice3A_738 : vector<8x1xf32> to vector<8x1024xf32>
    %add3A_740 = vector.broadcast %broadcast_in_dim3A : vector<1x1024xf32> to vector<8x1024xf32>
    %add3A_741 = arith.addf %add3A_739, %add3A_740 : vector<8x1024xf32>
    %slice3A_742 = vector.extract_strided_slice %dot_general3A_18 {offsets = [528, 0], sizes = [8, 1024], strides = [1, 1]} : vector<1024x1024xf32> to vector<8x1024xf32>
    %add3A_743 = arith.addf %add3A_741, %slice3A_742 : vector<8x1024xf32>
    %lt3A_744 = arith.cmpf olt, %add3A_743, %select_n3A_734 : vector<8x1024xf32>
    %select_n3A_745 = arith.select %lt3A_744, %add3A_743, %select_n3A_734 : vector<8x1024xi1>, vector<8x1024xf32>
    %jit3A_746 = arith.constant 66 : i32
    %broadcast_in_dim3A_747 = vector.broadcast %jit3A_746 : i32 to vector<8x1024xi32>
    %select_n3A_748 = arith.select %lt3A_744, %broadcast_in_dim3A_747, %select_n3A_737 : vector<8x1024xi1>, vector<8x1024xi32>
    %slice3A_749 = vector.extract_strided_slice %slice3A {offsets = [536, 0], sizes = [8, 1], strides = [1, 1]} : vector<1024x1xf32> to vector<8x1xf32>
    %add3A_750 = vector.broadcast %slice3A_749 : vector<8x1xf32> to vector<8x1024xf32>
    %add3A_751 = vector.broadcast %broadcast_in_dim3A : vector<1x1024xf32> to vector<8x1024xf32>
    %add3A_752 = arith.addf %add3A_750, %add3A_751 : vector<8x1024xf32>
    %slice3A_753 = vector.extract_strided_slice %dot_general3A_18 {offsets = [536, 0], sizes = [8, 1024], strides = [1, 1]} : vector<1024x1024xf32> to vector<8x1024xf32>
    %add3A_754 = arith.addf %add3A_752, %slice3A_753 : vector<8x1024xf32>
    %lt3A_755 = arith.cmpf olt, %add3A_754, %select_n3A_745 : vector<8x1024xf32>
    %select_n3A_756 = arith.select %lt3A_755, %add3A_754, %select_n3A_745 : vector<8x1024xi1>, vector<8x1024xf32>
    %jit3A_757 = arith.constant 67 : i32
    %broadcast_in_dim3A_758 = vector.broadcast %jit3A_757 : i32 to vector<8x1024xi32>
    %select_n3A_759 = arith.select %lt3A_755, %broadcast_in_dim3A_758, %select_n3A_748 : vector<8x1024xi1>, vector<8x1024xi32>
    %slice3A_760 = vector.extract_strided_slice %slice3A {offsets = [544, 0], sizes = [8, 1], strides = [1, 1]} : vector<1024x1xf32> to vector<8x1xf32>
    %add3A_761 = vector.broadcast %slice3A_760 : vector<8x1xf32> to vector<8x1024xf32>
    %add3A_762 = vector.broadcast %broadcast_in_dim3A : vector<1x1024xf32> to vector<8x1024xf32>
    %add3A_763 = arith.addf %add3A_761, %add3A_762 : vector<8x1024xf32>
    %slice3A_764 = vector.extract_strided_slice %dot_general3A_18 {offsets = [544, 0], sizes = [8, 1024], strides = [1, 1]} : vector<1024x1024xf32> to vector<8x1024xf32>
    %add3A_765 = arith.addf %add3A_763, %slice3A_764 : vector<8x1024xf32>
    %lt3A_766 = arith.cmpf olt, %add3A_765, %select_n3A_756 : vector<8x1024xf32>
    %select_n3A_767 = arith.select %lt3A_766, %add3A_765, %select_n3A_756 : vector<8x1024xi1>, vector<8x1024xf32>
    %jit3A_768 = arith.constant 68 : i32
    %broadcast_in_dim3A_769 = vector.broadcast %jit3A_768 : i32 to vector<8x1024xi32>
    %select_n3A_770 = arith.select %lt3A_766, %broadcast_in_dim3A_769, %select_n3A_759 : vector<8x1024xi1>, vector<8x1024xi32>
    %slice3A_771 = vector.extract_strided_slice %slice3A {offsets = [552, 0], sizes = [8, 1], strides = [1, 1]} : vector<1024x1xf32> to vector<8x1xf32>
    %add3A_772 = vector.broadcast %slice3A_771 : vector<8x1xf32> to vector<8x1024xf32>
    %add3A_773 = vector.broadcast %broadcast_in_dim3A : vector<1x1024xf32> to vector<8x1024xf32>
    %add3A_774 = arith.addf %add3A_772, %add3A_773 : vector<8x1024xf32>
    %slice3A_775 = vector.extract_strided_slice %dot_general3A_18 {offsets = [552, 0], sizes = [8, 1024], strides = [1, 1]} : vector<1024x1024xf32> to vector<8x1024xf32>
    %add3A_776 = arith.addf %add3A_774, %slice3A_775 : vector<8x1024xf32>
    %lt3A_777 = arith.cmpf olt, %add3A_776, %select_n3A_767 : vector<8x1024xf32>
    %select_n3A_778 = arith.select %lt3A_777, %add3A_776, %select_n3A_767 : vector<8x1024xi1>, vector<8x1024xf32>
    %jit3A_779 = arith.constant 69 : i32
    %broadcast_in_dim3A_780 = vector.broadcast %jit3A_779 : i32 to vector<8x1024xi32>
    %select_n3A_781 = arith.select %lt3A_777, %broadcast_in_dim3A_780, %select_n3A_770 : vector<8x1024xi1>, vector<8x1024xi32>
    %slice3A_782 = vector.extract_strided_slice %slice3A {offsets = [560, 0], sizes = [8, 1], strides = [1, 1]} : vector<1024x1xf32> to vector<8x1xf32>
    %add3A_783 = vector.broadcast %slice3A_782 : vector<8x1xf32> to vector<8x1024xf32>
    %add3A_784 = vector.broadcast %broadcast_in_dim3A : vector<1x1024xf32> to vector<8x1024xf32>
    %add3A_785 = arith.addf %add3A_783, %add3A_784 : vector<8x1024xf32>
    %slice3A_786 = vector.extract_strided_slice %dot_general3A_18 {offsets = [560, 0], sizes = [8, 1024], strides = [1, 1]} : vector<1024x1024xf32> to vector<8x1024xf32>
    %add3A_787 = arith.addf %add3A_785, %slice3A_786 : vector<8x1024xf32>
    %lt3A_788 = arith.cmpf olt, %add3A_787, %select_n3A_778 : vector<8x1024xf32>
    %select_n3A_789 = arith.select %lt3A_788, %add3A_787, %select_n3A_778 : vector<8x1024xi1>, vector<8x1024xf32>
    %jit3A_790 = arith.constant 70 : i32
    %broadcast_in_dim3A_791 = vector.broadcast %jit3A_790 : i32 to vector<8x1024xi32>
    %select_n3A_792 = arith.select %lt3A_788, %broadcast_in_dim3A_791, %select_n3A_781 : vector<8x1024xi1>, vector<8x1024xi32>
    %slice3A_793 = vector.extract_strided_slice %slice3A {offsets = [568, 0], sizes = [8, 1], strides = [1, 1]} : vector<1024x1xf32> to vector<8x1xf32>
    %add3A_794 = vector.broadcast %slice3A_793 : vector<8x1xf32> to vector<8x1024xf32>
    %add3A_795 = vector.broadcast %broadcast_in_dim3A : vector<1x1024xf32> to vector<8x1024xf32>
    %add3A_796 = arith.addf %add3A_794, %add3A_795 : vector<8x1024xf32>
    %slice3A_797 = vector.extract_strided_slice %dot_general3A_18 {offsets = [568, 0], sizes = [8, 1024], strides = [1, 1]} : vector<1024x1024xf32> to vector<8x1024xf32>
    %add3A_798 = arith.addf %add3A_796, %slice3A_797 : vector<8x1024xf32>
    %lt3A_799 = arith.cmpf olt, %add3A_798, %select_n3A_789 : vector<8x1024xf32>
    %select_n3A_800 = arith.select %lt3A_799, %add3A_798, %select_n3A_789 : vector<8x1024xi1>, vector<8x1024xf32>
    %jit3A_801 = arith.constant 71 : i32
    %broadcast_in_dim3A_802 = vector.broadcast %jit3A_801 : i32 to vector<8x1024xi32>
    %select_n3A_803 = arith.select %lt3A_799, %broadcast_in_dim3A_802, %select_n3A_792 : vector<8x1024xi1>, vector<8x1024xi32>
    %slice3A_804 = vector.extract_strided_slice %slice3A {offsets = [576, 0], sizes = [8, 1], strides = [1, 1]} : vector<1024x1xf32> to vector<8x1xf32>
    %add3A_805 = vector.broadcast %slice3A_804 : vector<8x1xf32> to vector<8x1024xf32>
    %add3A_806 = vector.broadcast %broadcast_in_dim3A : vector<1x1024xf32> to vector<8x1024xf32>
    %add3A_807 = arith.addf %add3A_805, %add3A_806 : vector<8x1024xf32>
    %slice3A_808 = vector.extract_strided_slice %dot_general3A_18 {offsets = [576, 0], sizes = [8, 1024], strides = [1, 1]} : vector<1024x1024xf32> to vector<8x1024xf32>
    %add3A_809 = arith.addf %add3A_807, %slice3A_808 : vector<8x1024xf32>
    %lt3A_810 = arith.cmpf olt, %add3A_809, %select_n3A_800 : vector<8x1024xf32>
    %select_n3A_811 = arith.select %lt3A_810, %add3A_809, %select_n3A_800 : vector<8x1024xi1>, vector<8x1024xf32>
    %jit3A_812 = arith.constant 72 : i32
    %broadcast_in_dim3A_813 = vector.broadcast %jit3A_812 : i32 to vector<8x1024xi32>
    %select_n3A_814 = arith.select %lt3A_810, %broadcast_in_dim3A_813, %select_n3A_803 : vector<8x1024xi1>, vector<8x1024xi32>
    %slice3A_815 = vector.extract_strided_slice %slice3A {offsets = [584, 0], sizes = [8, 1], strides = [1, 1]} : vector<1024x1xf32> to vector<8x1xf32>
    %add3A_816 = vector.broadcast %slice3A_815 : vector<8x1xf32> to vector<8x1024xf32>
    %add3A_817 = vector.broadcast %broadcast_in_dim3A : vector<1x1024xf32> to vector<8x1024xf32>
    %add3A_818 = arith.addf %add3A_816, %add3A_817 : vector<8x1024xf32>
    %slice3A_819 = vector.extract_strided_slice %dot_general3A_18 {offsets = [584, 0], sizes = [8, 1024], strides = [1, 1]} : vector<1024x1024xf32> to vector<8x1024xf32>
    %add3A_820 = arith.addf %add3A_818, %slice3A_819 : vector<8x1024xf32>
    %lt3A_821 = arith.cmpf olt, %add3A_820, %select_n3A_811 : vector<8x1024xf32>
    %select_n3A_822 = arith.select %lt3A_821, %add3A_820, %select_n3A_811 : vector<8x1024xi1>, vector<8x1024xf32>
    %jit3A_823 = arith.constant 73 : i32
    %broadcast_in_dim3A_824 = vector.broadcast %jit3A_823 : i32 to vector<8x1024xi32>
    %select_n3A_825 = arith.select %lt3A_821, %broadcast_in_dim3A_824, %select_n3A_814 : vector<8x1024xi1>, vector<8x1024xi32>
    %slice3A_826 = vector.extract_strided_slice %slice3A {offsets = [592, 0], sizes = [8, 1], strides = [1, 1]} : vector<1024x1xf32> to vector<8x1xf32>
    %add3A_827 = vector.broadcast %slice3A_826 : vector<8x1xf32> to vector<8x1024xf32>
    %add3A_828 = vector.broadcast %broadcast_in_dim3A : vector<1x1024xf32> to vector<8x1024xf32>
    %add3A_829 = arith.addf %add3A_827, %add3A_828 : vector<8x1024xf32>
    %slice3A_830 = vector.extract_strided_slice %dot_general3A_18 {offsets = [592, 0], sizes = [8, 1024], strides = [1, 1]} : vector<1024x1024xf32> to vector<8x1024xf32>
    %add3A_831 = arith.addf %add3A_829, %slice3A_830 : vector<8x1024xf32>
    %lt3A_832 = arith.cmpf olt, %add3A_831, %select_n3A_822 : vector<8x1024xf32>
    %select_n3A_833 = arith.select %lt3A_832, %add3A_831, %select_n3A_822 : vector<8x1024xi1>, vector<8x1024xf32>
    %jit3A_834 = arith.constant 74 : i32
    %broadcast_in_dim3A_835 = vector.broadcast %jit3A_834 : i32 to vector<8x1024xi32>
    %select_n3A_836 = arith.select %lt3A_832, %broadcast_in_dim3A_835, %select_n3A_825 : vector<8x1024xi1>, vector<8x1024xi32>
    %slice3A_837 = vector.extract_strided_slice %slice3A {offsets = [600, 0], sizes = [8, 1], strides = [1, 1]} : vector<1024x1xf32> to vector<8x1xf32>
    %add3A_838 = vector.broadcast %slice3A_837 : vector<8x1xf32> to vector<8x1024xf32>
    %add3A_839 = vector.broadcast %broadcast_in_dim3A : vector<1x1024xf32> to vector<8x1024xf32>
    %add3A_840 = arith.addf %add3A_838, %add3A_839 : vector<8x1024xf32>
    %slice3A_841 = vector.extract_strided_slice %dot_general3A_18 {offsets = [600, 0], sizes = [8, 1024], strides = [1, 1]} : vector<1024x1024xf32> to vector<8x1024xf32>
    %add3A_842 = arith.addf %add3A_840, %slice3A_841 : vector<8x1024xf32>
    %lt3A_843 = arith.cmpf olt, %add3A_842, %select_n3A_833 : vector<8x1024xf32>
    %select_n3A_844 = arith.select %lt3A_843, %add3A_842, %select_n3A_833 : vector<8x1024xi1>, vector<8x1024xf32>
    %jit3A_845 = arith.constant 75 : i32
    %broadcast_in_dim3A_846 = vector.broadcast %jit3A_845 : i32 to vector<8x1024xi32>
    %select_n3A_847 = arith.select %lt3A_843, %broadcast_in_dim3A_846, %select_n3A_836 : vector<8x1024xi1>, vector<8x1024xi32>
    %slice3A_848 = vector.extract_strided_slice %slice3A {offsets = [608, 0], sizes = [8, 1], strides = [1, 1]} : vector<1024x1xf32> to vector<8x1xf32>
    %add3A_849 = vector.broadcast %slice3A_848 : vector<8x1xf32> to vector<8x1024xf32>
    %add3A_850 = vector.broadcast %broadcast_in_dim3A : vector<1x1024xf32> to vector<8x1024xf32>
    %add3A_851 = arith.addf %add3A_849, %add3A_850 : vector<8x1024xf32>
    %slice3A_852 = vector.extract_strided_slice %dot_general3A_18 {offsets = [608, 0], sizes = [8, 1024], strides = [1, 1]} : vector<1024x1024xf32> to vector<8x1024xf32>
    %add3A_853 = arith.addf %add3A_851, %slice3A_852 : vector<8x1024xf32>
    %lt3A_854 = arith.cmpf olt, %add3A_853, %select_n3A_844 : vector<8x1024xf32>
    %select_n3A_855 = arith.select %lt3A_854, %add3A_853, %select_n3A_844 : vector<8x1024xi1>, vector<8x1024xf32>
    %jit3A_856 = arith.constant 76 : i32
    %broadcast_in_dim3A_857 = vector.broadcast %jit3A_856 : i32 to vector<8x1024xi32>
    %select_n3A_858 = arith.select %lt3A_854, %broadcast_in_dim3A_857, %select_n3A_847 : vector<8x1024xi1>, vector<8x1024xi32>
    %slice3A_859 = vector.extract_strided_slice %slice3A {offsets = [616, 0], sizes = [8, 1], strides = [1, 1]} : vector<1024x1xf32> to vector<8x1xf32>
    %add3A_860 = vector.broadcast %slice3A_859 : vector<8x1xf32> to vector<8x1024xf32>
    %add3A_861 = vector.broadcast %broadcast_in_dim3A : vector<1x1024xf32> to vector<8x1024xf32>
    %add3A_862 = arith.addf %add3A_860, %add3A_861 : vector<8x1024xf32>
    %slice3A_863 = vector.extract_strided_slice %dot_general3A_18 {offsets = [616, 0], sizes = [8, 1024], strides = [1, 1]} : vector<1024x1024xf32> to vector<8x1024xf32>
    %add3A_864 = arith.addf %add3A_862, %slice3A_863 : vector<8x1024xf32>
    %lt3A_865 = arith.cmpf olt, %add3A_864, %select_n3A_855 : vector<8x1024xf32>
    %select_n3A_866 = arith.select %lt3A_865, %add3A_864, %select_n3A_855 : vector<8x1024xi1>, vector<8x1024xf32>
    %jit3A_867 = arith.constant 77 : i32
    %broadcast_in_dim3A_868 = vector.broadcast %jit3A_867 : i32 to vector<8x1024xi32>
    %select_n3A_869 = arith.select %lt3A_865, %broadcast_in_dim3A_868, %select_n3A_858 : vector<8x1024xi1>, vector<8x1024xi32>
    %slice3A_870 = vector.extract_strided_slice %slice3A {offsets = [624, 0], sizes = [8, 1], strides = [1, 1]} : vector<1024x1xf32> to vector<8x1xf32>
    %add3A_871 = vector.broadcast %slice3A_870 : vector<8x1xf32> to vector<8x1024xf32>
    %add3A_872 = vector.broadcast %broadcast_in_dim3A : vector<1x1024xf32> to vector<8x1024xf32>
    %add3A_873 = arith.addf %add3A_871, %add3A_872 : vector<8x1024xf32>
    %slice3A_874 = vector.extract_strided_slice %dot_general3A_18 {offsets = [624, 0], sizes = [8, 1024], strides = [1, 1]} : vector<1024x1024xf32> to vector<8x1024xf32>
    %add3A_875 = arith.addf %add3A_873, %slice3A_874 : vector<8x1024xf32>
    %lt3A_876 = arith.cmpf olt, %add3A_875, %select_n3A_866 : vector<8x1024xf32>
    %select_n3A_877 = arith.select %lt3A_876, %add3A_875, %select_n3A_866 : vector<8x1024xi1>, vector<8x1024xf32>
    %jit3A_878 = arith.constant 78 : i32
    %broadcast_in_dim3A_879 = vector.broadcast %jit3A_878 : i32 to vector<8x1024xi32>
    %select_n3A_880 = arith.select %lt3A_876, %broadcast_in_dim3A_879, %select_n3A_869 : vector<8x1024xi1>, vector<8x1024xi32>
    %slice3A_881 = vector.extract_strided_slice %slice3A {offsets = [632, 0], sizes = [8, 1], strides = [1, 1]} : vector<1024x1xf32> to vector<8x1xf32>
    %add3A_882 = vector.broadcast %slice3A_881 : vector<8x1xf32> to vector<8x1024xf32>
    %add3A_883 = vector.broadcast %broadcast_in_dim3A : vector<1x1024xf32> to vector<8x1024xf32>
    %add3A_884 = arith.addf %add3A_882, %add3A_883 : vector<8x1024xf32>
    %slice3A_885 = vector.extract_strided_slice %dot_general3A_18 {offsets = [632, 0], sizes = [8, 1024], strides = [1, 1]} : vector<1024x1024xf32> to vector<8x1024xf32>
    %add3A_886 = arith.addf %add3A_884, %slice3A_885 : vector<8x1024xf32>
    %lt3A_887 = arith.cmpf olt, %add3A_886, %select_n3A_877 : vector<8x1024xf32>
    %select_n3A_888 = arith.select %lt3A_887, %add3A_886, %select_n3A_877 : vector<8x1024xi1>, vector<8x1024xf32>
    %jit3A_889 = arith.constant 79 : i32
    %broadcast_in_dim3A_890 = vector.broadcast %jit3A_889 : i32 to vector<8x1024xi32>
    %select_n3A_891 = arith.select %lt3A_887, %broadcast_in_dim3A_890, %select_n3A_880 : vector<8x1024xi1>, vector<8x1024xi32>
    %slice3A_892 = vector.extract_strided_slice %slice3A {offsets = [640, 0], sizes = [8, 1], strides = [1, 1]} : vector<1024x1xf32> to vector<8x1xf32>
    %add3A_893 = vector.broadcast %slice3A_892 : vector<8x1xf32> to vector<8x1024xf32>
    %add3A_894 = vector.broadcast %broadcast_in_dim3A : vector<1x1024xf32> to vector<8x1024xf32>
    %add3A_895 = arith.addf %add3A_893, %add3A_894 : vector<8x1024xf32>
    %slice3A_896 = vector.extract_strided_slice %dot_general3A_18 {offsets = [640, 0], sizes = [8, 1024], strides = [1, 1]} : vector<1024x1024xf32> to vector<8x1024xf32>
    %add3A_897 = arith.addf %add3A_895, %slice3A_896 : vector<8x1024xf32>
    %lt3A_898 = arith.cmpf olt, %add3A_897, %select_n3A_888 : vector<8x1024xf32>
    %select_n3A_899 = arith.select %lt3A_898, %add3A_897, %select_n3A_888 : vector<8x1024xi1>, vector<8x1024xf32>
    %jit3A_900 = arith.constant 80 : i32
    %broadcast_in_dim3A_901 = vector.broadcast %jit3A_900 : i32 to vector<8x1024xi32>
    %select_n3A_902 = arith.select %lt3A_898, %broadcast_in_dim3A_901, %select_n3A_891 : vector<8x1024xi1>, vector<8x1024xi32>
    %slice3A_903 = vector.extract_strided_slice %slice3A {offsets = [648, 0], sizes = [8, 1], strides = [1, 1]} : vector<1024x1xf32> to vector<8x1xf32>
    %add3A_904 = vector.broadcast %slice3A_903 : vector<8x1xf32> to vector<8x1024xf32>
    %add3A_905 = vector.broadcast %broadcast_in_dim3A : vector<1x1024xf32> to vector<8x1024xf32>
    %add3A_906 = arith.addf %add3A_904, %add3A_905 : vector<8x1024xf32>
    %slice3A_907 = vector.extract_strided_slice %dot_general3A_18 {offsets = [648, 0], sizes = [8, 1024], strides = [1, 1]} : vector<1024x1024xf32> to vector<8x1024xf32>
    %add3A_908 = arith.addf %add3A_906, %slice3A_907 : vector<8x1024xf32>
    %lt3A_909 = arith.cmpf olt, %add3A_908, %select_n3A_899 : vector<8x1024xf32>
    %select_n3A_910 = arith.select %lt3A_909, %add3A_908, %select_n3A_899 : vector<8x1024xi1>, vector<8x1024xf32>
    %jit3A_911 = arith.constant 81 : i32
    %broadcast_in_dim3A_912 = vector.broadcast %jit3A_911 : i32 to vector<8x1024xi32>
    %select_n3A_913 = arith.select %lt3A_909, %broadcast_in_dim3A_912, %select_n3A_902 : vector<8x1024xi1>, vector<8x1024xi32>
    %slice3A_914 = vector.extract_strided_slice %slice3A {offsets = [656, 0], sizes = [8, 1], strides = [1, 1]} : vector<1024x1xf32> to vector<8x1xf32>
    %add3A_915 = vector.broadcast %slice3A_914 : vector<8x1xf32> to vector<8x1024xf32>
    %add3A_916 = vector.broadcast %broadcast_in_dim3A : vector<1x1024xf32> to vector<8x1024xf32>
    %add3A_917 = arith.addf %add3A_915, %add3A_916 : vector<8x1024xf32>
    %slice3A_918 = vector.extract_strided_slice %dot_general3A_18 {offsets = [656, 0], sizes = [8, 1024], strides = [1, 1]} : vector<1024x1024xf32> to vector<8x1024xf32>
    %add3A_919 = arith.addf %add3A_917, %slice3A_918 : vector<8x1024xf32>
    %lt3A_920 = arith.cmpf olt, %add3A_919, %select_n3A_910 : vector<8x1024xf32>
    %select_n3A_921 = arith.select %lt3A_920, %add3A_919, %select_n3A_910 : vector<8x1024xi1>, vector<8x1024xf32>
    %jit3A_922 = arith.constant 82 : i32
    %broadcast_in_dim3A_923 = vector.broadcast %jit3A_922 : i32 to vector<8x1024xi32>
    %select_n3A_924 = arith.select %lt3A_920, %broadcast_in_dim3A_923, %select_n3A_913 : vector<8x1024xi1>, vector<8x1024xi32>
    %slice3A_925 = vector.extract_strided_slice %slice3A {offsets = [664, 0], sizes = [8, 1], strides = [1, 1]} : vector<1024x1xf32> to vector<8x1xf32>
    %add3A_926 = vector.broadcast %slice3A_925 : vector<8x1xf32> to vector<8x1024xf32>
    %add3A_927 = vector.broadcast %broadcast_in_dim3A : vector<1x1024xf32> to vector<8x1024xf32>
    %add3A_928 = arith.addf %add3A_926, %add3A_927 : vector<8x1024xf32>
    %slice3A_929 = vector.extract_strided_slice %dot_general3A_18 {offsets = [664, 0], sizes = [8, 1024], strides = [1, 1]} : vector<1024x1024xf32> to vector<8x1024xf32>
    %add3A_930 = arith.addf %add3A_928, %slice3A_929 : vector<8x1024xf32>
    %lt3A_931 = arith.cmpf olt, %add3A_930, %select_n3A_921 : vector<8x1024xf32>
    %select_n3A_932 = arith.select %lt3A_931, %add3A_930, %select_n3A_921 : vector<8x1024xi1>, vector<8x1024xf32>
    %jit3A_933 = arith.constant 83 : i32
    %broadcast_in_dim3A_934 = vector.broadcast %jit3A_933 : i32 to vector<8x1024xi32>
    %select_n3A_935 = arith.select %lt3A_931, %broadcast_in_dim3A_934, %select_n3A_924 : vector<8x1024xi1>, vector<8x1024xi32>
    %slice3A_936 = vector.extract_strided_slice %slice3A {offsets = [672, 0], sizes = [8, 1], strides = [1, 1]} : vector<1024x1xf32> to vector<8x1xf32>
    %add3A_937 = vector.broadcast %slice3A_936 : vector<8x1xf32> to vector<8x1024xf32>
    %add3A_938 = vector.broadcast %broadcast_in_dim3A : vector<1x1024xf32> to vector<8x1024xf32>
    %add3A_939 = arith.addf %add3A_937, %add3A_938 : vector<8x1024xf32>
    %slice3A_940 = vector.extract_strided_slice %dot_general3A_18 {offsets = [672, 0], sizes = [8, 1024], strides = [1, 1]} : vector<1024x1024xf32> to vector<8x1024xf32>
    %add3A_941 = arith.addf %add3A_939, %slice3A_940 : vector<8x1024xf32>
    %lt3A_942 = arith.cmpf olt, %add3A_941, %select_n3A_932 : vector<8x1024xf32>
    %select_n3A_943 = arith.select %lt3A_942, %add3A_941, %select_n3A_932 : vector<8x1024xi1>, vector<8x1024xf32>
    %jit3A_944 = arith.constant 84 : i32
    %broadcast_in_dim3A_945 = vector.broadcast %jit3A_944 : i32 to vector<8x1024xi32>
    %select_n3A_946 = arith.select %lt3A_942, %broadcast_in_dim3A_945, %select_n3A_935 : vector<8x1024xi1>, vector<8x1024xi32>
    %slice3A_947 = vector.extract_strided_slice %slice3A {offsets = [680, 0], sizes = [8, 1], strides = [1, 1]} : vector<1024x1xf32> to vector<8x1xf32>
    %add3A_948 = vector.broadcast %slice3A_947 : vector<8x1xf32> to vector<8x1024xf32>
    %add3A_949 = vector.broadcast %broadcast_in_dim3A : vector<1x1024xf32> to vector<8x1024xf32>
    %add3A_950 = arith.addf %add3A_948, %add3A_949 : vector<8x1024xf32>
    %slice3A_951 = vector.extract_strided_slice %dot_general3A_18 {offsets = [680, 0], sizes = [8, 1024], strides = [1, 1]} : vector<1024x1024xf32> to vector<8x1024xf32>
    %add3A_952 = arith.addf %add3A_950, %slice3A_951 : vector<8x1024xf32>
    %lt3A_953 = arith.cmpf olt, %add3A_952, %select_n3A_943 : vector<8x1024xf32>
    %select_n3A_954 = arith.select %lt3A_953, %add3A_952, %select_n3A_943 : vector<8x1024xi1>, vector<8x1024xf32>
    %jit3A_955 = arith.constant 85 : i32
    %broadcast_in_dim3A_956 = vector.broadcast %jit3A_955 : i32 to vector<8x1024xi32>
    %select_n3A_957 = arith.select %lt3A_953, %broadcast_in_dim3A_956, %select_n3A_946 : vector<8x1024xi1>, vector<8x1024xi32>
    %slice3A_958 = vector.extract_strided_slice %slice3A {offsets = [688, 0], sizes = [8, 1], strides = [1, 1]} : vector<1024x1xf32> to vector<8x1xf32>
    %add3A_959 = vector.broadcast %slice3A_958 : vector<8x1xf32> to vector<8x1024xf32>
    %add3A_960 = vector.broadcast %broadcast_in_dim3A : vector<1x1024xf32> to vector<8x1024xf32>
    %add3A_961 = arith.addf %add3A_959, %add3A_960 : vector<8x1024xf32>
    %slice3A_962 = vector.extract_strided_slice %dot_general3A_18 {offsets = [688, 0], sizes = [8, 1024], strides = [1, 1]} : vector<1024x1024xf32> to vector<8x1024xf32>
    %add3A_963 = arith.addf %add3A_961, %slice3A_962 : vector<8x1024xf32>
    %lt3A_964 = arith.cmpf olt, %add3A_963, %select_n3A_954 : vector<8x1024xf32>
    %select_n3A_965 = arith.select %lt3A_964, %add3A_963, %select_n3A_954 : vector<8x1024xi1>, vector<8x1024xf32>
    %jit3A_966 = arith.constant 86 : i32
    %broadcast_in_dim3A_967 = vector.broadcast %jit3A_966 : i32 to vector<8x1024xi32>
    %select_n3A_968 = arith.select %lt3A_964, %broadcast_in_dim3A_967, %select_n3A_957 : vector<8x1024xi1>, vector<8x1024xi32>
    %slice3A_969 = vector.extract_strided_slice %slice3A {offsets = [696, 0], sizes = [8, 1], strides = [1, 1]} : vector<1024x1xf32> to vector<8x1xf32>
    %add3A_970 = vector.broadcast %slice3A_969 : vector<8x1xf32> to vector<8x1024xf32>
    %add3A_971 = vector.broadcast %broadcast_in_dim3A : vector<1x1024xf32> to vector<8x1024xf32>
    %add3A_972 = arith.addf %add3A_970, %add3A_971 : vector<8x1024xf32>
    %slice3A_973 = vector.extract_strided_slice %dot_general3A_18 {offsets = [696, 0], sizes = [8, 1024], strides = [1, 1]} : vector<1024x1024xf32> to vector<8x1024xf32>
    %add3A_974 = arith.addf %add3A_972, %slice3A_973 : vector<8x1024xf32>
    %lt3A_975 = arith.cmpf olt, %add3A_974, %select_n3A_965 : vector<8x1024xf32>
    %select_n3A_976 = arith.select %lt3A_975, %add3A_974, %select_n3A_965 : vector<8x1024xi1>, vector<8x1024xf32>
    %jit3A_977 = arith.constant 87 : i32
    %broadcast_in_dim3A_978 = vector.broadcast %jit3A_977 : i32 to vector<8x1024xi32>
    %select_n3A_979 = arith.select %lt3A_975, %broadcast_in_dim3A_978, %select_n3A_968 : vector<8x1024xi1>, vector<8x1024xi32>
    %slice3A_980 = vector.extract_strided_slice %slice3A {offsets = [704, 0], sizes = [8, 1], strides = [1, 1]} : vector<1024x1xf32> to vector<8x1xf32>
    %add3A_981 = vector.broadcast %slice3A_980 : vector<8x1xf32> to vector<8x1024xf32>
    %add3A_982 = vector.broadcast %broadcast_in_dim3A : vector<1x1024xf32> to vector<8x1024xf32>
    %add3A_983 = arith.addf %add3A_981, %add3A_982 : vector<8x1024xf32>
    %slice3A_984 = vector.extract_strided_slice %dot_general3A_18 {offsets = [704, 0], sizes = [8, 1024], strides = [1, 1]} : vector<1024x1024xf32> to vector<8x1024xf32>
    %add3A_985 = arith.addf %add3A_983, %slice3A_984 : vector<8x1024xf32>
    %lt3A_986 = arith.cmpf olt, %add3A_985, %select_n3A_976 : vector<8x1024xf32>
    %select_n3A_987 = arith.select %lt3A_986, %add3A_985, %select_n3A_976 : vector<8x1024xi1>, vector<8x1024xf32>
    %jit3A_988 = arith.constant 88 : i32
    %broadcast_in_dim3A_989 = vector.broadcast %jit3A_988 : i32 to vector<8x1024xi32>
    %select_n3A_990 = arith.select %lt3A_986, %broadcast_in_dim3A_989, %select_n3A_979 : vector<8x1024xi1>, vector<8x1024xi32>
    %slice3A_991 = vector.extract_strided_slice %slice3A {offsets = [712, 0], sizes = [8, 1], strides = [1, 1]} : vector<1024x1xf32> to vector<8x1xf32>
    %add3A_992 = vector.broadcast %slice3A_991 : vector<8x1xf32> to vector<8x1024xf32>
    %add3A_993 = vector.broadcast %broadcast_in_dim3A : vector<1x1024xf32> to vector<8x1024xf32>
    %add3A_994 = arith.addf %add3A_992, %add3A_993 : vector<8x1024xf32>
    %slice3A_995 = vector.extract_strided_slice %dot_general3A_18 {offsets = [712, 0], sizes = [8, 1024], strides = [1, 1]} : vector<1024x1024xf32> to vector<8x1024xf32>
    %add3A_996 = arith.addf %add3A_994, %slice3A_995 : vector<8x1024xf32>
    %lt3A_997 = arith.cmpf olt, %add3A_996, %select_n3A_987 : vector<8x1024xf32>
    %select_n3A_998 = arith.select %lt3A_997, %add3A_996, %select_n3A_987 : vector<8x1024xi1>, vector<8x1024xf32>
    %jit3A_999 = arith.constant 89 : i32
    %broadcast_in_dim3A_1000 = vector.broadcast %jit3A_999 : i32 to vector<8x1024xi32>
    %select_n3A_1001 = arith.select %lt3A_997, %broadcast_in_dim3A_1000, %select_n3A_990 : vector<8x1024xi1>, vector<8x1024xi32>
    %slice3A_1002 = vector.extract_strided_slice %slice3A {offsets = [720, 0], sizes = [8, 1], strides = [1, 1]} : vector<1024x1xf32> to vector<8x1xf32>
    %add3A_1003 = vector.broadcast %slice3A_1002 : vector<8x1xf32> to vector<8x1024xf32>
    %add3A_1004 = vector.broadcast %broadcast_in_dim3A : vector<1x1024xf32> to vector<8x1024xf32>
    %add3A_1005 = arith.addf %add3A_1003, %add3A_1004 : vector<8x1024xf32>
    %slice3A_1006 = vector.extract_strided_slice %dot_general3A_18 {offsets = [720, 0], sizes = [8, 1024], strides = [1, 1]} : vector<1024x1024xf32> to vector<8x1024xf32>
    %add3A_1007 = arith.addf %add3A_1005, %slice3A_1006 : vector<8x1024xf32>
    %lt3A_1008 = arith.cmpf olt, %add3A_1007, %select_n3A_998 : vector<8x1024xf32>
    %select_n3A_1009 = arith.select %lt3A_1008, %add3A_1007, %select_n3A_998 : vector<8x1024xi1>, vector<8x1024xf32>
    %jit3A_1010 = arith.constant 90 : i32
    %broadcast_in_dim3A_1011 = vector.broadcast %jit3A_1010 : i32 to vector<8x1024xi32>
    %select_n3A_1012 = arith.select %lt3A_1008, %broadcast_in_dim3A_1011, %select_n3A_1001 : vector<8x1024xi1>, vector<8x1024xi32>
    %slice3A_1013 = vector.extract_strided_slice %slice3A {offsets = [728, 0], sizes = [8, 1], strides = [1, 1]} : vector<1024x1xf32> to vector<8x1xf32>
    %add3A_1014 = vector.broadcast %slice3A_1013 : vector<8x1xf32> to vector<8x1024xf32>
    %add3A_1015 = vector.broadcast %broadcast_in_dim3A : vector<1x1024xf32> to vector<8x1024xf32>
    %add3A_1016 = arith.addf %add3A_1014, %add3A_1015 : vector<8x1024xf32>
    %slice3A_1017 = vector.extract_strided_slice %dot_general3A_18 {offsets = [728, 0], sizes = [8, 1024], strides = [1, 1]} : vector<1024x1024xf32> to vector<8x1024xf32>
    %add3A_1018 = arith.addf %add3A_1016, %slice3A_1017 : vector<8x1024xf32>
    %lt3A_1019 = arith.cmpf olt, %add3A_1018, %select_n3A_1009 : vector<8x1024xf32>
    %select_n3A_1020 = arith.select %lt3A_1019, %add3A_1018, %select_n3A_1009 : vector<8x1024xi1>, vector<8x1024xf32>
    %jit3A_1021 = arith.constant 91 : i32
    %broadcast_in_dim3A_1022 = vector.broadcast %jit3A_1021 : i32 to vector<8x1024xi32>
    %select_n3A_1023 = arith.select %lt3A_1019, %broadcast_in_dim3A_1022, %select_n3A_1012 : vector<8x1024xi1>, vector<8x1024xi32>
    %slice3A_1024 = vector.extract_strided_slice %slice3A {offsets = [736, 0], sizes = [8, 1], strides = [1, 1]} : vector<1024x1xf32> to vector<8x1xf32>
    %add3A_1025 = vector.broadcast %slice3A_1024 : vector<8x1xf32> to vector<8x1024xf32>
    %add3A_1026 = vector.broadcast %broadcast_in_dim3A : vector<1x1024xf32> to vector<8x1024xf32>
    %add3A_1027 = arith.addf %add3A_1025, %add3A_1026 : vector<8x1024xf32>
    %slice3A_1028 = vector.extract_strided_slice %dot_general3A_18 {offsets = [736, 0], sizes = [8, 1024], strides = [1, 1]} : vector<1024x1024xf32> to vector<8x1024xf32>
    %add3A_1029 = arith.addf %add3A_1027, %slice3A_1028 : vector<8x1024xf32>
    %lt3A_1030 = arith.cmpf olt, %add3A_1029, %select_n3A_1020 : vector<8x1024xf32>
    %select_n3A_1031 = arith.select %lt3A_1030, %add3A_1029, %select_n3A_1020 : vector<8x1024xi1>, vector<8x1024xf32>
    %jit3A_1032 = arith.constant 92 : i32
    %broadcast_in_dim3A_1033 = vector.broadcast %jit3A_1032 : i32 to vector<8x1024xi32>
    %select_n3A_1034 = arith.select %lt3A_1030, %broadcast_in_dim3A_1033, %select_n3A_1023 : vector<8x1024xi1>, vector<8x1024xi32>
    %slice3A_1035 = vector.extract_strided_slice %slice3A {offsets = [744, 0], sizes = [8, 1], strides = [1, 1]} : vector<1024x1xf32> to vector<8x1xf32>
    %add3A_1036 = vector.broadcast %slice3A_1035 : vector<8x1xf32> to vector<8x1024xf32>
    %add3A_1037 = vector.broadcast %broadcast_in_dim3A : vector<1x1024xf32> to vector<8x1024xf32>
    %add3A_1038 = arith.addf %add3A_1036, %add3A_1037 : vector<8x1024xf32>
    %slice3A_1039 = vector.extract_strided_slice %dot_general3A_18 {offsets = [744, 0], sizes = [8, 1024], strides = [1, 1]} : vector<1024x1024xf32> to vector<8x1024xf32>
    %add3A_1040 = arith.addf %add3A_1038, %slice3A_1039 : vector<8x1024xf32>
    %lt3A_1041 = arith.cmpf olt, %add3A_1040, %select_n3A_1031 : vector<8x1024xf32>
    %select_n3A_1042 = arith.select %lt3A_1041, %add3A_1040, %select_n3A_1031 : vector<8x1024xi1>, vector<8x1024xf32>
    %jit3A_1043 = arith.constant 93 : i32
    %broadcast_in_dim3A_1044 = vector.broadcast %jit3A_1043 : i32 to vector<8x1024xi32>
    %select_n3A_1045 = arith.select %lt3A_1041, %broadcast_in_dim3A_1044, %select_n3A_1034 : vector<8x1024xi1>, vector<8x1024xi32>
    %slice3A_1046 = vector.extract_strided_slice %slice3A {offsets = [752, 0], sizes = [8, 1], strides = [1, 1]} : vector<1024x1xf32> to vector<8x1xf32>
    %add3A_1047 = vector.broadcast %slice3A_1046 : vector<8x1xf32> to vector<8x1024xf32>
    %add3A_1048 = vector.broadcast %broadcast_in_dim3A : vector<1x1024xf32> to vector<8x1024xf32>
    %add3A_1049 = arith.addf %add3A_1047, %add3A_1048 : vector<8x1024xf32>
    %slice3A_1050 = vector.extract_strided_slice %dot_general3A_18 {offsets = [752, 0], sizes = [8, 1024], strides = [1, 1]} : vector<1024x1024xf32> to vector<8x1024xf32>
    %add3A_1051 = arith.addf %add3A_1049, %slice3A_1050 : vector<8x1024xf32>
    %lt3A_1052 = arith.cmpf olt, %add3A_1051, %select_n3A_1042 : vector<8x1024xf32>
    %select_n3A_1053 = arith.select %lt3A_1052, %add3A_1051, %select_n3A_1042 : vector<8x1024xi1>, vector<8x1024xf32>
    %jit3A_1054 = arith.constant 94 : i32
    %broadcast_in_dim3A_1055 = vector.broadcast %jit3A_1054 : i32 to vector<8x1024xi32>
    %select_n3A_1056 = arith.select %lt3A_1052, %broadcast_in_dim3A_1055, %select_n3A_1045 : vector<8x1024xi1>, vector<8x1024xi32>
    %slice3A_1057 = vector.extract_strided_slice %slice3A {offsets = [760, 0], sizes = [8, 1], strides = [1, 1]} : vector<1024x1xf32> to vector<8x1xf32>
    %add3A_1058 = vector.broadcast %slice3A_1057 : vector<8x1xf32> to vector<8x1024xf32>
    %add3A_1059 = vector.broadcast %broadcast_in_dim3A : vector<1x1024xf32> to vector<8x1024xf32>
    %add3A_1060 = arith.addf %add3A_1058, %add3A_1059 : vector<8x1024xf32>
    %slice3A_1061 = vector.extract_strided_slice %dot_general3A_18 {offsets = [760, 0], sizes = [8, 1024], strides = [1, 1]} : vector<1024x1024xf32> to vector<8x1024xf32>
    %add3A_1062 = arith.addf %add3A_1060, %slice3A_1061 : vector<8x1024xf32>
    %lt3A_1063 = arith.cmpf olt, %add3A_1062, %select_n3A_1053 : vector<8x1024xf32>
    %select_n3A_1064 = arith.select %lt3A_1063, %add3A_1062, %select_n3A_1053 : vector<8x1024xi1>, vector<8x1024xf32>
    %jit3A_1065 = arith.constant 95 : i32
    %broadcast_in_dim3A_1066 = vector.broadcast %jit3A_1065 : i32 to vector<8x1024xi32>
    %select_n3A_1067 = arith.select %lt3A_1063, %broadcast_in_dim3A_1066, %select_n3A_1056 : vector<8x1024xi1>, vector<8x1024xi32>
    %slice3A_1068 = vector.extract_strided_slice %slice3A {offsets = [768, 0], sizes = [8, 1], strides = [1, 1]} : vector<1024x1xf32> to vector<8x1xf32>
    %add3A_1069 = vector.broadcast %slice3A_1068 : vector<8x1xf32> to vector<8x1024xf32>
    %add3A_1070 = vector.broadcast %broadcast_in_dim3A : vector<1x1024xf32> to vector<8x1024xf32>
    %add3A_1071 = arith.addf %add3A_1069, %add3A_1070 : vector<8x1024xf32>
    %slice3A_1072 = vector.extract_strided_slice %dot_general3A_18 {offsets = [768, 0], sizes = [8, 1024], strides = [1, 1]} : vector<1024x1024xf32> to vector<8x1024xf32>
    %add3A_1073 = arith.addf %add3A_1071, %slice3A_1072 : vector<8x1024xf32>
    %lt3A_1074 = arith.cmpf olt, %add3A_1073, %select_n3A_1064 : vector<8x1024xf32>
    %select_n3A_1075 = arith.select %lt3A_1074, %add3A_1073, %select_n3A_1064 : vector<8x1024xi1>, vector<8x1024xf32>
    %jit3A_1076 = arith.constant 96 : i32
    %broadcast_in_dim3A_1077 = vector.broadcast %jit3A_1076 : i32 to vector<8x1024xi32>
    %select_n3A_1078 = arith.select %lt3A_1074, %broadcast_in_dim3A_1077, %select_n3A_1067 : vector<8x1024xi1>, vector<8x1024xi32>
    %slice3A_1079 = vector.extract_strided_slice %slice3A {offsets = [776, 0], sizes = [8, 1], strides = [1, 1]} : vector<1024x1xf32> to vector<8x1xf32>
    %add3A_1080 = vector.broadcast %slice3A_1079 : vector<8x1xf32> to vector<8x1024xf32>
    %add3A_1081 = vector.broadcast %broadcast_in_dim3A : vector<1x1024xf32> to vector<8x1024xf32>
    %add3A_1082 = arith.addf %add3A_1080, %add3A_1081 : vector<8x1024xf32>
    %slice3A_1083 = vector.extract_strided_slice %dot_general3A_18 {offsets = [776, 0], sizes = [8, 1024], strides = [1, 1]} : vector<1024x1024xf32> to vector<8x1024xf32>
    %add3A_1084 = arith.addf %add3A_1082, %slice3A_1083 : vector<8x1024xf32>
    %lt3A_1085 = arith.cmpf olt, %add3A_1084, %select_n3A_1075 : vector<8x1024xf32>
    %select_n3A_1086 = arith.select %lt3A_1085, %add3A_1084, %select_n3A_1075 : vector<8x1024xi1>, vector<8x1024xf32>
    %jit3A_1087 = arith.constant 97 : i32
    %broadcast_in_dim3A_1088 = vector.broadcast %jit3A_1087 : i32 to vector<8x1024xi32>
    %select_n3A_1089 = arith.select %lt3A_1085, %broadcast_in_dim3A_1088, %select_n3A_1078 : vector<8x1024xi1>, vector<8x1024xi32>
    %slice3A_1090 = vector.extract_strided_slice %slice3A {offsets = [784, 0], sizes = [8, 1], strides = [1, 1]} : vector<1024x1xf32> to vector<8x1xf32>
    %add3A_1091 = vector.broadcast %slice3A_1090 : vector<8x1xf32> to vector<8x1024xf32>
    %add3A_1092 = vector.broadcast %broadcast_in_dim3A : vector<1x1024xf32> to vector<8x1024xf32>
    %add3A_1093 = arith.addf %add3A_1091, %add3A_1092 : vector<8x1024xf32>
    %slice3A_1094 = vector.extract_strided_slice %dot_general3A_18 {offsets = [784, 0], sizes = [8, 1024], strides = [1, 1]} : vector<1024x1024xf32> to vector<8x1024xf32>
    %add3A_1095 = arith.addf %add3A_1093, %slice3A_1094 : vector<8x1024xf32>
    %lt3A_1096 = arith.cmpf olt, %add3A_1095, %select_n3A_1086 : vector<8x1024xf32>
    %select_n3A_1097 = arith.select %lt3A_1096, %add3A_1095, %select_n3A_1086 : vector<8x1024xi1>, vector<8x1024xf32>
    %jit3A_1098 = arith.constant 98 : i32
    %broadcast_in_dim3A_1099 = vector.broadcast %jit3A_1098 : i32 to vector<8x1024xi32>
    %select_n3A_1100 = arith.select %lt3A_1096, %broadcast_in_dim3A_1099, %select_n3A_1089 : vector<8x1024xi1>, vector<8x1024xi32>
    %slice3A_1101 = vector.extract_strided_slice %slice3A {offsets = [792, 0], sizes = [8, 1], strides = [1, 1]} : vector<1024x1xf32> to vector<8x1xf32>
    %add3A_1102 = vector.broadcast %slice3A_1101 : vector<8x1xf32> to vector<8x1024xf32>
    %add3A_1103 = vector.broadcast %broadcast_in_dim3A : vector<1x1024xf32> to vector<8x1024xf32>
    %add3A_1104 = arith.addf %add3A_1102, %add3A_1103 : vector<8x1024xf32>
    %slice3A_1105 = vector.extract_strided_slice %dot_general3A_18 {offsets = [792, 0], sizes = [8, 1024], strides = [1, 1]} : vector<1024x1024xf32> to vector<8x1024xf32>
    %add3A_1106 = arith.addf %add3A_1104, %slice3A_1105 : vector<8x1024xf32>
    %lt3A_1107 = arith.cmpf olt, %add3A_1106, %select_n3A_1097 : vector<8x1024xf32>
    %select_n3A_1108 = arith.select %lt3A_1107, %add3A_1106, %select_n3A_1097 : vector<8x1024xi1>, vector<8x1024xf32>
    %jit3A_1109 = arith.constant 99 : i32
    %broadcast_in_dim3A_1110 = vector.broadcast %jit3A_1109 : i32 to vector<8x1024xi32>
    %select_n3A_1111 = arith.select %lt3A_1107, %broadcast_in_dim3A_1110, %select_n3A_1100 : vector<8x1024xi1>, vector<8x1024xi32>
    %slice3A_1112 = vector.extract_strided_slice %slice3A {offsets = [800, 0], sizes = [8, 1], strides = [1, 1]} : vector<1024x1xf32> to vector<8x1xf32>
    %add3A_1113 = vector.broadcast %slice3A_1112 : vector<8x1xf32> to vector<8x1024xf32>
    %add3A_1114 = vector.broadcast %broadcast_in_dim3A : vector<1x1024xf32> to vector<8x1024xf32>
    %add3A_1115 = arith.addf %add3A_1113, %add3A_1114 : vector<8x1024xf32>
    %slice3A_1116 = vector.extract_strided_slice %dot_general3A_18 {offsets = [800, 0], sizes = [8, 1024], strides = [1, 1]} : vector<1024x1024xf32> to vector<8x1024xf32>
    %add3A_1117 = arith.addf %add3A_1115, %slice3A_1116 : vector<8x1024xf32>
    %lt3A_1118 = arith.cmpf olt, %add3A_1117, %select_n3A_1108 : vector<8x1024xf32>
    %select_n3A_1119 = arith.select %lt3A_1118, %add3A_1117, %select_n3A_1108 : vector<8x1024xi1>, vector<8x1024xf32>
    %jit3A_1120 = arith.constant 100 : i32
    %broadcast_in_dim3A_1121 = vector.broadcast %jit3A_1120 : i32 to vector<8x1024xi32>
    %select_n3A_1122 = arith.select %lt3A_1118, %broadcast_in_dim3A_1121, %select_n3A_1111 : vector<8x1024xi1>, vector<8x1024xi32>
    %slice3A_1123 = vector.extract_strided_slice %slice3A {offsets = [808, 0], sizes = [8, 1], strides = [1, 1]} : vector<1024x1xf32> to vector<8x1xf32>
    %add3A_1124 = vector.broadcast %slice3A_1123 : vector<8x1xf32> to vector<8x1024xf32>
    %add3A_1125 = vector.broadcast %broadcast_in_dim3A : vector<1x1024xf32> to vector<8x1024xf32>
    %add3A_1126 = arith.addf %add3A_1124, %add3A_1125 : vector<8x1024xf32>
    %slice3A_1127 = vector.extract_strided_slice %dot_general3A_18 {offsets = [808, 0], sizes = [8, 1024], strides = [1, 1]} : vector<1024x1024xf32> to vector<8x1024xf32>
    %add3A_1128 = arith.addf %add3A_1126, %slice3A_1127 : vector<8x1024xf32>
    %lt3A_1129 = arith.cmpf olt, %add3A_1128, %select_n3A_1119 : vector<8x1024xf32>
    %select_n3A_1130 = arith.select %lt3A_1129, %add3A_1128, %select_n3A_1119 : vector<8x1024xi1>, vector<8x1024xf32>
    %jit3A_1131 = arith.constant 101 : i32
    %broadcast_in_dim3A_1132 = vector.broadcast %jit3A_1131 : i32 to vector<8x1024xi32>
    %select_n3A_1133 = arith.select %lt3A_1129, %broadcast_in_dim3A_1132, %select_n3A_1122 : vector<8x1024xi1>, vector<8x1024xi32>
    %slice3A_1134 = vector.extract_strided_slice %slice3A {offsets = [816, 0], sizes = [8, 1], strides = [1, 1]} : vector<1024x1xf32> to vector<8x1xf32>
    %add3A_1135 = vector.broadcast %slice3A_1134 : vector<8x1xf32> to vector<8x1024xf32>
    %add3A_1136 = vector.broadcast %broadcast_in_dim3A : vector<1x1024xf32> to vector<8x1024xf32>
    %add3A_1137 = arith.addf %add3A_1135, %add3A_1136 : vector<8x1024xf32>
    %slice3A_1138 = vector.extract_strided_slice %dot_general3A_18 {offsets = [816, 0], sizes = [8, 1024], strides = [1, 1]} : vector<1024x1024xf32> to vector<8x1024xf32>
    %add3A_1139 = arith.addf %add3A_1137, %slice3A_1138 : vector<8x1024xf32>
    %lt3A_1140 = arith.cmpf olt, %add3A_1139, %select_n3A_1130 : vector<8x1024xf32>
    %select_n3A_1141 = arith.select %lt3A_1140, %add3A_1139, %select_n3A_1130 : vector<8x1024xi1>, vector<8x1024xf32>
    %jit3A_1142 = arith.constant 102 : i32
    %broadcast_in_dim3A_1143 = vector.broadcast %jit3A_1142 : i32 to vector<8x1024xi32>
    %select_n3A_1144 = arith.select %lt3A_1140, %broadcast_in_dim3A_1143, %select_n3A_1133 : vector<8x1024xi1>, vector<8x1024xi32>
    %slice3A_1145 = vector.extract_strided_slice %slice3A {offsets = [824, 0], sizes = [8, 1], strides = [1, 1]} : vector<1024x1xf32> to vector<8x1xf32>
    %add3A_1146 = vector.broadcast %slice3A_1145 : vector<8x1xf32> to vector<8x1024xf32>
    %add3A_1147 = vector.broadcast %broadcast_in_dim3A : vector<1x1024xf32> to vector<8x1024xf32>
    %add3A_1148 = arith.addf %add3A_1146, %add3A_1147 : vector<8x1024xf32>
    %slice3A_1149 = vector.extract_strided_slice %dot_general3A_18 {offsets = [824, 0], sizes = [8, 1024], strides = [1, 1]} : vector<1024x1024xf32> to vector<8x1024xf32>
    %add3A_1150 = arith.addf %add3A_1148, %slice3A_1149 : vector<8x1024xf32>
    %lt3A_1151 = arith.cmpf olt, %add3A_1150, %select_n3A_1141 : vector<8x1024xf32>
    %select_n3A_1152 = arith.select %lt3A_1151, %add3A_1150, %select_n3A_1141 : vector<8x1024xi1>, vector<8x1024xf32>
    %jit3A_1153 = arith.constant 103 : i32
    %broadcast_in_dim3A_1154 = vector.broadcast %jit3A_1153 : i32 to vector<8x1024xi32>
    %select_n3A_1155 = arith.select %lt3A_1151, %broadcast_in_dim3A_1154, %select_n3A_1144 : vector<8x1024xi1>, vector<8x1024xi32>
    %slice3A_1156 = vector.extract_strided_slice %slice3A {offsets = [832, 0], sizes = [8, 1], strides = [1, 1]} : vector<1024x1xf32> to vector<8x1xf32>
    %add3A_1157 = vector.broadcast %slice3A_1156 : vector<8x1xf32> to vector<8x1024xf32>
    %add3A_1158 = vector.broadcast %broadcast_in_dim3A : vector<1x1024xf32> to vector<8x1024xf32>
    %add3A_1159 = arith.addf %add3A_1157, %add3A_1158 : vector<8x1024xf32>
    %slice3A_1160 = vector.extract_strided_slice %dot_general3A_18 {offsets = [832, 0], sizes = [8, 1024], strides = [1, 1]} : vector<1024x1024xf32> to vector<8x1024xf32>
    %add3A_1161 = arith.addf %add3A_1159, %slice3A_1160 : vector<8x1024xf32>
    %lt3A_1162 = arith.cmpf olt, %add3A_1161, %select_n3A_1152 : vector<8x1024xf32>
    %select_n3A_1163 = arith.select %lt3A_1162, %add3A_1161, %select_n3A_1152 : vector<8x1024xi1>, vector<8x1024xf32>
    %jit3A_1164 = arith.constant 104 : i32
    %broadcast_in_dim3A_1165 = vector.broadcast %jit3A_1164 : i32 to vector<8x1024xi32>
    %select_n3A_1166 = arith.select %lt3A_1162, %broadcast_in_dim3A_1165, %select_n3A_1155 : vector<8x1024xi1>, vector<8x1024xi32>
    %slice3A_1167 = vector.extract_strided_slice %slice3A {offsets = [840, 0], sizes = [8, 1], strides = [1, 1]} : vector<1024x1xf32> to vector<8x1xf32>
    %add3A_1168 = vector.broadcast %slice3A_1167 : vector<8x1xf32> to vector<8x1024xf32>
    %add3A_1169 = vector.broadcast %broadcast_in_dim3A : vector<1x1024xf32> to vector<8x1024xf32>
    %add3A_1170 = arith.addf %add3A_1168, %add3A_1169 : vector<8x1024xf32>
    %slice3A_1171 = vector.extract_strided_slice %dot_general3A_18 {offsets = [840, 0], sizes = [8, 1024], strides = [1, 1]} : vector<1024x1024xf32> to vector<8x1024xf32>
    %add3A_1172 = arith.addf %add3A_1170, %slice3A_1171 : vector<8x1024xf32>
    %lt3A_1173 = arith.cmpf olt, %add3A_1172, %select_n3A_1163 : vector<8x1024xf32>
    %select_n3A_1174 = arith.select %lt3A_1173, %add3A_1172, %select_n3A_1163 : vector<8x1024xi1>, vector<8x1024xf32>
    %jit3A_1175 = arith.constant 105 : i32
    %broadcast_in_dim3A_1176 = vector.broadcast %jit3A_1175 : i32 to vector<8x1024xi32>
    %select_n3A_1177 = arith.select %lt3A_1173, %broadcast_in_dim3A_1176, %select_n3A_1166 : vector<8x1024xi1>, vector<8x1024xi32>
    %slice3A_1178 = vector.extract_strided_slice %slice3A {offsets = [848, 0], sizes = [8, 1], strides = [1, 1]} : vector<1024x1xf32> to vector<8x1xf32>
    %add3A_1179 = vector.broadcast %slice3A_1178 : vector<8x1xf32> to vector<8x1024xf32>
    %add3A_1180 = vector.broadcast %broadcast_in_dim3A : vector<1x1024xf32> to vector<8x1024xf32>
    %add3A_1181 = arith.addf %add3A_1179, %add3A_1180 : vector<8x1024xf32>
    %slice3A_1182 = vector.extract_strided_slice %dot_general3A_18 {offsets = [848, 0], sizes = [8, 1024], strides = [1, 1]} : vector<1024x1024xf32> to vector<8x1024xf32>
    %add3A_1183 = arith.addf %add3A_1181, %slice3A_1182 : vector<8x1024xf32>
    %lt3A_1184 = arith.cmpf olt, %add3A_1183, %select_n3A_1174 : vector<8x1024xf32>
    %select_n3A_1185 = arith.select %lt3A_1184, %add3A_1183, %select_n3A_1174 : vector<8x1024xi1>, vector<8x1024xf32>
    %jit3A_1186 = arith.constant 106 : i32
    %broadcast_in_dim3A_1187 = vector.broadcast %jit3A_1186 : i32 to vector<8x1024xi32>
    %select_n3A_1188 = arith.select %lt3A_1184, %broadcast_in_dim3A_1187, %select_n3A_1177 : vector<8x1024xi1>, vector<8x1024xi32>
    %slice3A_1189 = vector.extract_strided_slice %slice3A {offsets = [856, 0], sizes = [8, 1], strides = [1, 1]} : vector<1024x1xf32> to vector<8x1xf32>
    %add3A_1190 = vector.broadcast %slice3A_1189 : vector<8x1xf32> to vector<8x1024xf32>
    %add3A_1191 = vector.broadcast %broadcast_in_dim3A : vector<1x1024xf32> to vector<8x1024xf32>
    %add3A_1192 = arith.addf %add3A_1190, %add3A_1191 : vector<8x1024xf32>
    %slice3A_1193 = vector.extract_strided_slice %dot_general3A_18 {offsets = [856, 0], sizes = [8, 1024], strides = [1, 1]} : vector<1024x1024xf32> to vector<8x1024xf32>
    %add3A_1194 = arith.addf %add3A_1192, %slice3A_1193 : vector<8x1024xf32>
    %lt3A_1195 = arith.cmpf olt, %add3A_1194, %select_n3A_1185 : vector<8x1024xf32>
    %select_n3A_1196 = arith.select %lt3A_1195, %add3A_1194, %select_n3A_1185 : vector<8x1024xi1>, vector<8x1024xf32>
    %jit3A_1197 = arith.constant 107 : i32
    %broadcast_in_dim3A_1198 = vector.broadcast %jit3A_1197 : i32 to vector<8x1024xi32>
    %select_n3A_1199 = arith.select %lt3A_1195, %broadcast_in_dim3A_1198, %select_n3A_1188 : vector<8x1024xi1>, vector<8x1024xi32>
    %slice3A_1200 = vector.extract_strided_slice %slice3A {offsets = [864, 0], sizes = [8, 1], strides = [1, 1]} : vector<1024x1xf32> to vector<8x1xf32>
    %add3A_1201 = vector.broadcast %slice3A_1200 : vector<8x1xf32> to vector<8x1024xf32>
    %add3A_1202 = vector.broadcast %broadcast_in_dim3A : vector<1x1024xf32> to vector<8x1024xf32>
    %add3A_1203 = arith.addf %add3A_1201, %add3A_1202 : vector<8x1024xf32>
    %slice3A_1204 = vector.extract_strided_slice %dot_general3A_18 {offsets = [864, 0], sizes = [8, 1024], strides = [1, 1]} : vector<1024x1024xf32> to vector<8x1024xf32>
    %add3A_1205 = arith.addf %add3A_1203, %slice3A_1204 : vector<8x1024xf32>
    %lt3A_1206 = arith.cmpf olt, %add3A_1205, %select_n3A_1196 : vector<8x1024xf32>
    %select_n3A_1207 = arith.select %lt3A_1206, %add3A_1205, %select_n3A_1196 : vector<8x1024xi1>, vector<8x1024xf32>
    %jit3A_1208 = arith.constant 108 : i32
    %broadcast_in_dim3A_1209 = vector.broadcast %jit3A_1208 : i32 to vector<8x1024xi32>
    %select_n3A_1210 = arith.select %lt3A_1206, %broadcast_in_dim3A_1209, %select_n3A_1199 : vector<8x1024xi1>, vector<8x1024xi32>
    %slice3A_1211 = vector.extract_strided_slice %slice3A {offsets = [872, 0], sizes = [8, 1], strides = [1, 1]} : vector<1024x1xf32> to vector<8x1xf32>
    %add3A_1212 = vector.broadcast %slice3A_1211 : vector<8x1xf32> to vector<8x1024xf32>
    %add3A_1213 = vector.broadcast %broadcast_in_dim3A : vector<1x1024xf32> to vector<8x1024xf32>
    %add3A_1214 = arith.addf %add3A_1212, %add3A_1213 : vector<8x1024xf32>
    %slice3A_1215 = vector.extract_strided_slice %dot_general3A_18 {offsets = [872, 0], sizes = [8, 1024], strides = [1, 1]} : vector<1024x1024xf32> to vector<8x1024xf32>
    %add3A_1216 = arith.addf %add3A_1214, %slice3A_1215 : vector<8x1024xf32>
    %lt3A_1217 = arith.cmpf olt, %add3A_1216, %select_n3A_1207 : vector<8x1024xf32>
    %select_n3A_1218 = arith.select %lt3A_1217, %add3A_1216, %select_n3A_1207 : vector<8x1024xi1>, vector<8x1024xf32>
    %jit3A_1219 = arith.constant 109 : i32
    %broadcast_in_dim3A_1220 = vector.broadcast %jit3A_1219 : i32 to vector<8x1024xi32>
    %select_n3A_1221 = arith.select %lt3A_1217, %broadcast_in_dim3A_1220, %select_n3A_1210 : vector<8x1024xi1>, vector<8x1024xi32>
    %slice3A_1222 = vector.extract_strided_slice %slice3A {offsets = [880, 0], sizes = [8, 1], strides = [1, 1]} : vector<1024x1xf32> to vector<8x1xf32>
    %add3A_1223 = vector.broadcast %slice3A_1222 : vector<8x1xf32> to vector<8x1024xf32>
    %add3A_1224 = vector.broadcast %broadcast_in_dim3A : vector<1x1024xf32> to vector<8x1024xf32>
    %add3A_1225 = arith.addf %add3A_1223, %add3A_1224 : vector<8x1024xf32>
    %slice3A_1226 = vector.extract_strided_slice %dot_general3A_18 {offsets = [880, 0], sizes = [8, 1024], strides = [1, 1]} : vector<1024x1024xf32> to vector<8x1024xf32>
    %add3A_1227 = arith.addf %add3A_1225, %slice3A_1226 : vector<8x1024xf32>
    %lt3A_1228 = arith.cmpf olt, %add3A_1227, %select_n3A_1218 : vector<8x1024xf32>
    %select_n3A_1229 = arith.select %lt3A_1228, %add3A_1227, %select_n3A_1218 : vector<8x1024xi1>, vector<8x1024xf32>
    %jit3A_1230 = arith.constant 110 : i32
    %broadcast_in_dim3A_1231 = vector.broadcast %jit3A_1230 : i32 to vector<8x1024xi32>
    %select_n3A_1232 = arith.select %lt3A_1228, %broadcast_in_dim3A_1231, %select_n3A_1221 : vector<8x1024xi1>, vector<8x1024xi32>
    %slice3A_1233 = vector.extract_strided_slice %slice3A {offsets = [888, 0], sizes = [8, 1], strides = [1, 1]} : vector<1024x1xf32> to vector<8x1xf32>
    %add3A_1234 = vector.broadcast %slice3A_1233 : vector<8x1xf32> to vector<8x1024xf32>
    %add3A_1235 = vector.broadcast %broadcast_in_dim3A : vector<1x1024xf32> to vector<8x1024xf32>
    %add3A_1236 = arith.addf %add3A_1234, %add3A_1235 : vector<8x1024xf32>
    %slice3A_1237 = vector.extract_strided_slice %dot_general3A_18 {offsets = [888, 0], sizes = [8, 1024], strides = [1, 1]} : vector<1024x1024xf32> to vector<8x1024xf32>
    %add3A_1238 = arith.addf %add3A_1236, %slice3A_1237 : vector<8x1024xf32>
    %lt3A_1239 = arith.cmpf olt, %add3A_1238, %select_n3A_1229 : vector<8x1024xf32>
    %select_n3A_1240 = arith.select %lt3A_1239, %add3A_1238, %select_n3A_1229 : vector<8x1024xi1>, vector<8x1024xf32>
    %jit3A_1241 = arith.constant 111 : i32
    %broadcast_in_dim3A_1242 = vector.broadcast %jit3A_1241 : i32 to vector<8x1024xi32>
    %select_n3A_1243 = arith.select %lt3A_1239, %broadcast_in_dim3A_1242, %select_n3A_1232 : vector<8x1024xi1>, vector<8x1024xi32>
    %slice3A_1244 = vector.extract_strided_slice %slice3A {offsets = [896, 0], sizes = [8, 1], strides = [1, 1]} : vector<1024x1xf32> to vector<8x1xf32>
    %add3A_1245 = vector.broadcast %slice3A_1244 : vector<8x1xf32> to vector<8x1024xf32>
    %add3A_1246 = vector.broadcast %broadcast_in_dim3A : vector<1x1024xf32> to vector<8x1024xf32>
    %add3A_1247 = arith.addf %add3A_1245, %add3A_1246 : vector<8x1024xf32>
    %slice3A_1248 = vector.extract_strided_slice %dot_general3A_18 {offsets = [896, 0], sizes = [8, 1024], strides = [1, 1]} : vector<1024x1024xf32> to vector<8x1024xf32>
    %add3A_1249 = arith.addf %add3A_1247, %slice3A_1248 : vector<8x1024xf32>
    %lt3A_1250 = arith.cmpf olt, %add3A_1249, %select_n3A_1240 : vector<8x1024xf32>
    %select_n3A_1251 = arith.select %lt3A_1250, %add3A_1249, %select_n3A_1240 : vector<8x1024xi1>, vector<8x1024xf32>
    %jit3A_1252 = arith.constant 112 : i32
    %broadcast_in_dim3A_1253 = vector.broadcast %jit3A_1252 : i32 to vector<8x1024xi32>
    %select_n3A_1254 = arith.select %lt3A_1250, %broadcast_in_dim3A_1253, %select_n3A_1243 : vector<8x1024xi1>, vector<8x1024xi32>
    %slice3A_1255 = vector.extract_strided_slice %slice3A {offsets = [904, 0], sizes = [8, 1], strides = [1, 1]} : vector<1024x1xf32> to vector<8x1xf32>
    %add3A_1256 = vector.broadcast %slice3A_1255 : vector<8x1xf32> to vector<8x1024xf32>
    %add3A_1257 = vector.broadcast %broadcast_in_dim3A : vector<1x1024xf32> to vector<8x1024xf32>
    %add3A_1258 = arith.addf %add3A_1256, %add3A_1257 : vector<8x1024xf32>
    %slice3A_1259 = vector.extract_strided_slice %dot_general3A_18 {offsets = [904, 0], sizes = [8, 1024], strides = [1, 1]} : vector<1024x1024xf32> to vector<8x1024xf32>
    %add3A_1260 = arith.addf %add3A_1258, %slice3A_1259 : vector<8x1024xf32>
    %lt3A_1261 = arith.cmpf olt, %add3A_1260, %select_n3A_1251 : vector<8x1024xf32>
    %select_n3A_1262 = arith.select %lt3A_1261, %add3A_1260, %select_n3A_1251 : vector<8x1024xi1>, vector<8x1024xf32>
    %jit3A_1263 = arith.constant 113 : i32
    %broadcast_in_dim3A_1264 = vector.broadcast %jit3A_1263 : i32 to vector<8x1024xi32>
    %select_n3A_1265 = arith.select %lt3A_1261, %broadcast_in_dim3A_1264, %select_n3A_1254 : vector<8x1024xi1>, vector<8x1024xi32>
    %slice3A_1266 = vector.extract_strided_slice %slice3A {offsets = [912, 0], sizes = [8, 1], strides = [1, 1]} : vector<1024x1xf32> to vector<8x1xf32>
    %add3A_1267 = vector.broadcast %slice3A_1266 : vector<8x1xf32> to vector<8x1024xf32>
    %add3A_1268 = vector.broadcast %broadcast_in_dim3A : vector<1x1024xf32> to vector<8x1024xf32>
    %add3A_1269 = arith.addf %add3A_1267, %add3A_1268 : vector<8x1024xf32>
    %slice3A_1270 = vector.extract_strided_slice %dot_general3A_18 {offsets = [912, 0], sizes = [8, 1024], strides = [1, 1]} : vector<1024x1024xf32> to vector<8x1024xf32>
    %add3A_1271 = arith.addf %add3A_1269, %slice3A_1270 : vector<8x1024xf32>
    %lt3A_1272 = arith.cmpf olt, %add3A_1271, %select_n3A_1262 : vector<8x1024xf32>
    %select_n3A_1273 = arith.select %lt3A_1272, %add3A_1271, %select_n3A_1262 : vector<8x1024xi1>, vector<8x1024xf32>
    %jit3A_1274 = arith.constant 114 : i32
    %broadcast_in_dim3A_1275 = vector.broadcast %jit3A_1274 : i32 to vector<8x1024xi32>
    %select_n3A_1276 = arith.select %lt3A_1272, %broadcast_in_dim3A_1275, %select_n3A_1265 : vector<8x1024xi1>, vector<8x1024xi32>
    %slice3A_1277 = vector.extract_strided_slice %slice3A {offsets = [920, 0], sizes = [8, 1], strides = [1, 1]} : vector<1024x1xf32> to vector<8x1xf32>
    %add3A_1278 = vector.broadcast %slice3A_1277 : vector<8x1xf32> to vector<8x1024xf32>
    %add3A_1279 = vector.broadcast %broadcast_in_dim3A : vector<1x1024xf32> to vector<8x1024xf32>
    %add3A_1280 = arith.addf %add3A_1278, %add3A_1279 : vector<8x1024xf32>
    %slice3A_1281 = vector.extract_strided_slice %dot_general3A_18 {offsets = [920, 0], sizes = [8, 1024], strides = [1, 1]} : vector<1024x1024xf32> to vector<8x1024xf32>
    %add3A_1282 = arith.addf %add3A_1280, %slice3A_1281 : vector<8x1024xf32>
    %lt3A_1283 = arith.cmpf olt, %add3A_1282, %select_n3A_1273 : vector<8x1024xf32>
    %select_n3A_1284 = arith.select %lt3A_1283, %add3A_1282, %select_n3A_1273 : vector<8x1024xi1>, vector<8x1024xf32>
    %jit3A_1285 = arith.constant 115 : i32
    %broadcast_in_dim3A_1286 = vector.broadcast %jit3A_1285 : i32 to vector<8x1024xi32>
    %select_n3A_1287 = arith.select %lt3A_1283, %broadcast_in_dim3A_1286, %select_n3A_1276 : vector<8x1024xi1>, vector<8x1024xi32>
    %slice3A_1288 = vector.extract_strided_slice %slice3A {offsets = [928, 0], sizes = [8, 1], strides = [1, 1]} : vector<1024x1xf32> to vector<8x1xf32>
    %add3A_1289 = vector.broadcast %slice3A_1288 : vector<8x1xf32> to vector<8x1024xf32>
    %add3A_1290 = vector.broadcast %broadcast_in_dim3A : vector<1x1024xf32> to vector<8x1024xf32>
    %add3A_1291 = arith.addf %add3A_1289, %add3A_1290 : vector<8x1024xf32>
    %slice3A_1292 = vector.extract_strided_slice %dot_general3A_18 {offsets = [928, 0], sizes = [8, 1024], strides = [1, 1]} : vector<1024x1024xf32> to vector<8x1024xf32>
    %add3A_1293 = arith.addf %add3A_1291, %slice3A_1292 : vector<8x1024xf32>
    %lt3A_1294 = arith.cmpf olt, %add3A_1293, %select_n3A_1284 : vector<8x1024xf32>
    %select_n3A_1295 = arith.select %lt3A_1294, %add3A_1293, %select_n3A_1284 : vector<8x1024xi1>, vector<8x1024xf32>
    %jit3A_1296 = arith.constant 116 : i32
    %broadcast_in_dim3A_1297 = vector.broadcast %jit3A_1296 : i32 to vector<8x1024xi32>
    %select_n3A_1298 = arith.select %lt3A_1294, %broadcast_in_dim3A_1297, %select_n3A_1287 : vector<8x1024xi1>, vector<8x1024xi32>
    %slice3A_1299 = vector.extract_strided_slice %slice3A {offsets = [936, 0], sizes = [8, 1], strides = [1, 1]} : vector<1024x1xf32> to vector<8x1xf32>
    %add3A_1300 = vector.broadcast %slice3A_1299 : vector<8x1xf32> to vector<8x1024xf32>
    %add3A_1301 = vector.broadcast %broadcast_in_dim3A : vector<1x1024xf32> to vector<8x1024xf32>
    %add3A_1302 = arith.addf %add3A_1300, %add3A_1301 : vector<8x1024xf32>
    %slice3A_1303 = vector.extract_strided_slice %dot_general3A_18 {offsets = [936, 0], sizes = [8, 1024], strides = [1, 1]} : vector<1024x1024xf32> to vector<8x1024xf32>
    %add3A_1304 = arith.addf %add3A_1302, %slice3A_1303 : vector<8x1024xf32>
    %lt3A_1305 = arith.cmpf olt, %add3A_1304, %select_n3A_1295 : vector<8x1024xf32>
    %select_n3A_1306 = arith.select %lt3A_1305, %add3A_1304, %select_n3A_1295 : vector<8x1024xi1>, vector<8x1024xf32>
    %jit3A_1307 = arith.constant 117 : i32
    %broadcast_in_dim3A_1308 = vector.broadcast %jit3A_1307 : i32 to vector<8x1024xi32>
    %select_n3A_1309 = arith.select %lt3A_1305, %broadcast_in_dim3A_1308, %select_n3A_1298 : vector<8x1024xi1>, vector<8x1024xi32>
    %slice3A_1310 = vector.extract_strided_slice %slice3A {offsets = [944, 0], sizes = [8, 1], strides = [1, 1]} : vector<1024x1xf32> to vector<8x1xf32>
    %add3A_1311 = vector.broadcast %slice3A_1310 : vector<8x1xf32> to vector<8x1024xf32>
    %add3A_1312 = vector.broadcast %broadcast_in_dim3A : vector<1x1024xf32> to vector<8x1024xf32>
    %add3A_1313 = arith.addf %add3A_1311, %add3A_1312 : vector<8x1024xf32>
    %slice3A_1314 = vector.extract_strided_slice %dot_general3A_18 {offsets = [944, 0], sizes = [8, 1024], strides = [1, 1]} : vector<1024x1024xf32> to vector<8x1024xf32>
    %add3A_1315 = arith.addf %add3A_1313, %slice3A_1314 : vector<8x1024xf32>
    %lt3A_1316 = arith.cmpf olt, %add3A_1315, %select_n3A_1306 : vector<8x1024xf32>
    %select_n3A_1317 = arith.select %lt3A_1316, %add3A_1315, %select_n3A_1306 : vector<8x1024xi1>, vector<8x1024xf32>
    %jit3A_1318 = arith.constant 118 : i32
    %broadcast_in_dim3A_1319 = vector.broadcast %jit3A_1318 : i32 to vector<8x1024xi32>
    %select_n3A_1320 = arith.select %lt3A_1316, %broadcast_in_dim3A_1319, %select_n3A_1309 : vector<8x1024xi1>, vector<8x1024xi32>
    %slice3A_1321 = vector.extract_strided_slice %slice3A {offsets = [952, 0], sizes = [8, 1], strides = [1, 1]} : vector<1024x1xf32> to vector<8x1xf32>
    %add3A_1322 = vector.broadcast %slice3A_1321 : vector<8x1xf32> to vector<8x1024xf32>
    %add3A_1323 = vector.broadcast %broadcast_in_dim3A : vector<1x1024xf32> to vector<8x1024xf32>
    %add3A_1324 = arith.addf %add3A_1322, %add3A_1323 : vector<8x1024xf32>
    %slice3A_1325 = vector.extract_strided_slice %dot_general3A_18 {offsets = [952, 0], sizes = [8, 1024], strides = [1, 1]} : vector<1024x1024xf32> to vector<8x1024xf32>
    %add3A_1326 = arith.addf %add3A_1324, %slice3A_1325 : vector<8x1024xf32>
    %lt3A_1327 = arith.cmpf olt, %add3A_1326, %select_n3A_1317 : vector<8x1024xf32>
    %select_n3A_1328 = arith.select %lt3A_1327, %add3A_1326, %select_n3A_1317 : vector<8x1024xi1>, vector<8x1024xf32>
    %jit3A_1329 = arith.constant 119 : i32
    %broadcast_in_dim3A_1330 = vector.broadcast %jit3A_1329 : i32 to vector<8x1024xi32>
    %select_n3A_1331 = arith.select %lt3A_1327, %broadcast_in_dim3A_1330, %select_n3A_1320 : vector<8x1024xi1>, vector<8x1024xi32>
    %slice3A_1332 = vector.extract_strided_slice %slice3A {offsets = [960, 0], sizes = [8, 1], strides = [1, 1]} : vector<1024x1xf32> to vector<8x1xf32>
    %add3A_1333 = vector.broadcast %slice3A_1332 : vector<8x1xf32> to vector<8x1024xf32>
    %add3A_1334 = vector.broadcast %broadcast_in_dim3A : vector<1x1024xf32> to vector<8x1024xf32>
    %add3A_1335 = arith.addf %add3A_1333, %add3A_1334 : vector<8x1024xf32>
    %slice3A_1336 = vector.extract_strided_slice %dot_general3A_18 {offsets = [960, 0], sizes = [8, 1024], strides = [1, 1]} : vector<1024x1024xf32> to vector<8x1024xf32>
    %add3A_1337 = arith.addf %add3A_1335, %slice3A_1336 : vector<8x1024xf32>
    %lt3A_1338 = arith.cmpf olt, %add3A_1337, %select_n3A_1328 : vector<8x1024xf32>
    %select_n3A_1339 = arith.select %lt3A_1338, %add3A_1337, %select_n3A_1328 : vector<8x1024xi1>, vector<8x1024xf32>
    %jit3A_1340 = arith.constant 120 : i32
    %broadcast_in_dim3A_1341 = vector.broadcast %jit3A_1340 : i32 to vector<8x1024xi32>
    %select_n3A_1342 = arith.select %lt3A_1338, %broadcast_in_dim3A_1341, %select_n3A_1331 : vector<8x1024xi1>, vector<8x1024xi32>
    %slice3A_1343 = vector.extract_strided_slice %slice3A {offsets = [968, 0], sizes = [8, 1], strides = [1, 1]} : vector<1024x1xf32> to vector<8x1xf32>
    %add3A_1344 = vector.broadcast %slice3A_1343 : vector<8x1xf32> to vector<8x1024xf32>
    %add3A_1345 = vector.broadcast %broadcast_in_dim3A : vector<1x1024xf32> to vector<8x1024xf32>
    %add3A_1346 = arith.addf %add3A_1344, %add3A_1345 : vector<8x1024xf32>
    %slice3A_1347 = vector.extract_strided_slice %dot_general3A_18 {offsets = [968, 0], sizes = [8, 1024], strides = [1, 1]} : vector<1024x1024xf32> to vector<8x1024xf32>
    %add3A_1348 = arith.addf %add3A_1346, %slice3A_1347 : vector<8x1024xf32>
    %lt3A_1349 = arith.cmpf olt, %add3A_1348, %select_n3A_1339 : vector<8x1024xf32>
    %select_n3A_1350 = arith.select %lt3A_1349, %add3A_1348, %select_n3A_1339 : vector<8x1024xi1>, vector<8x1024xf32>
    %jit3A_1351 = arith.constant 121 : i32
    %broadcast_in_dim3A_1352 = vector.broadcast %jit3A_1351 : i32 to vector<8x1024xi32>
    %select_n3A_1353 = arith.select %lt3A_1349, %broadcast_in_dim3A_1352, %select_n3A_1342 : vector<8x1024xi1>, vector<8x1024xi32>
    %slice3A_1354 = vector.extract_strided_slice %slice3A {offsets = [976, 0], sizes = [8, 1], strides = [1, 1]} : vector<1024x1xf32> to vector<8x1xf32>
    %add3A_1355 = vector.broadcast %slice3A_1354 : vector<8x1xf32> to vector<8x1024xf32>
    %add3A_1356 = vector.broadcast %broadcast_in_dim3A : vector<1x1024xf32> to vector<8x1024xf32>
    %add3A_1357 = arith.addf %add3A_1355, %add3A_1356 : vector<8x1024xf32>
    %slice3A_1358 = vector.extract_strided_slice %dot_general3A_18 {offsets = [976, 0], sizes = [8, 1024], strides = [1, 1]} : vector<1024x1024xf32> to vector<8x1024xf32>
    %add3A_1359 = arith.addf %add3A_1357, %slice3A_1358 : vector<8x1024xf32>
    %lt3A_1360 = arith.cmpf olt, %add3A_1359, %select_n3A_1350 : vector<8x1024xf32>
    %select_n3A_1361 = arith.select %lt3A_1360, %add3A_1359, %select_n3A_1350 : vector<8x1024xi1>, vector<8x1024xf32>
    %jit3A_1362 = arith.constant 122 : i32
    %broadcast_in_dim3A_1363 = vector.broadcast %jit3A_1362 : i32 to vector<8x1024xi32>
    %select_n3A_1364 = arith.select %lt3A_1360, %broadcast_in_dim3A_1363, %select_n3A_1353 : vector<8x1024xi1>, vector<8x1024xi32>
    %slice3A_1365 = vector.extract_strided_slice %slice3A {offsets = [984, 0], sizes = [8, 1], strides = [1, 1]} : vector<1024x1xf32> to vector<8x1xf32>
    %add3A_1366 = vector.broadcast %slice3A_1365 : vector<8x1xf32> to vector<8x1024xf32>
    %add3A_1367 = vector.broadcast %broadcast_in_dim3A : vector<1x1024xf32> to vector<8x1024xf32>
    %add3A_1368 = arith.addf %add3A_1366, %add3A_1367 : vector<8x1024xf32>
    %slice3A_1369 = vector.extract_strided_slice %dot_general3A_18 {offsets = [984, 0], sizes = [8, 1024], strides = [1, 1]} : vector<1024x1024xf32> to vector<8x1024xf32>
    %add3A_1370 = arith.addf %add3A_1368, %slice3A_1369 : vector<8x1024xf32>
    %lt3A_1371 = arith.cmpf olt, %add3A_1370, %select_n3A_1361 : vector<8x1024xf32>
    %select_n3A_1372 = arith.select %lt3A_1371, %add3A_1370, %select_n3A_1361 : vector<8x1024xi1>, vector<8x1024xf32>
    %jit3A_1373 = arith.constant 123 : i32
    %broadcast_in_dim3A_1374 = vector.broadcast %jit3A_1373 : i32 to vector<8x1024xi32>
    %select_n3A_1375 = arith.select %lt3A_1371, %broadcast_in_dim3A_1374, %select_n3A_1364 : vector<8x1024xi1>, vector<8x1024xi32>
    %slice3A_1376 = vector.extract_strided_slice %slice3A {offsets = [992, 0], sizes = [8, 1], strides = [1, 1]} : vector<1024x1xf32> to vector<8x1xf32>
    %add3A_1377 = vector.broadcast %slice3A_1376 : vector<8x1xf32> to vector<8x1024xf32>
    %add3A_1378 = vector.broadcast %broadcast_in_dim3A : vector<1x1024xf32> to vector<8x1024xf32>
    %add3A_1379 = arith.addf %add3A_1377, %add3A_1378 : vector<8x1024xf32>
    %slice3A_1380 = vector.extract_strided_slice %dot_general3A_18 {offsets = [992, 0], sizes = [8, 1024], strides = [1, 1]} : vector<1024x1024xf32> to vector<8x1024xf32>
    %add3A_1381 = arith.addf %add3A_1379, %slice3A_1380 : vector<8x1024xf32>
    %lt3A_1382 = arith.cmpf olt, %add3A_1381, %select_n3A_1372 : vector<8x1024xf32>
    %select_n3A_1383 = arith.select %lt3A_1382, %add3A_1381, %select_n3A_1372 : vector<8x1024xi1>, vector<8x1024xf32>
    %jit3A_1384 = arith.constant 124 : i32
    %broadcast_in_dim3A_1385 = vector.broadcast %jit3A_1384 : i32 to vector<8x1024xi32>
    %select_n3A_1386 = arith.select %lt3A_1382, %broadcast_in_dim3A_1385, %select_n3A_1375 : vector<8x1024xi1>, vector<8x1024xi32>
    %slice3A_1387 = vector.extract_strided_slice %slice3A {offsets = [1000, 0], sizes = [8, 1], strides = [1, 1]} : vector<1024x1xf32> to vector<8x1xf32>
    %add3A_1388 = vector.broadcast %slice3A_1387 : vector<8x1xf32> to vector<8x1024xf32>
    %add3A_1389 = vector.broadcast %broadcast_in_dim3A : vector<1x1024xf32> to vector<8x1024xf32>
    %add3A_1390 = arith.addf %add3A_1388, %add3A_1389 : vector<8x1024xf32>
    %slice3A_1391 = vector.extract_strided_slice %dot_general3A_18 {offsets = [1000, 0], sizes = [8, 1024], strides = [1, 1]} : vector<1024x1024xf32> to vector<8x1024xf32>
    %add3A_1392 = arith.addf %add3A_1390, %slice3A_1391 : vector<8x1024xf32>
    %lt3A_1393 = arith.cmpf olt, %add3A_1392, %select_n3A_1383 : vector<8x1024xf32>
    %select_n3A_1394 = arith.select %lt3A_1393, %add3A_1392, %select_n3A_1383 : vector<8x1024xi1>, vector<8x1024xf32>
    %jit3A_1395 = arith.constant 125 : i32
    %broadcast_in_dim3A_1396 = vector.broadcast %jit3A_1395 : i32 to vector<8x1024xi32>
    %select_n3A_1397 = arith.select %lt3A_1393, %broadcast_in_dim3A_1396, %select_n3A_1386 : vector<8x1024xi1>, vector<8x1024xi32>
    %slice3A_1398 = vector.extract_strided_slice %slice3A {offsets = [1008, 0], sizes = [8, 1], strides = [1, 1]} : vector<1024x1xf32> to vector<8x1xf32>
    %add3A_1399 = vector.broadcast %slice3A_1398 : vector<8x1xf32> to vector<8x1024xf32>
    %add3A_1400 = vector.broadcast %broadcast_in_dim3A : vector<1x1024xf32> to vector<8x1024xf32>
    %add3A_1401 = arith.addf %add3A_1399, %add3A_1400 : vector<8x1024xf32>
    %slice3A_1402 = vector.extract_strided_slice %dot_general3A_18 {offsets = [1008, 0], sizes = [8, 1024], strides = [1, 1]} : vector<1024x1024xf32> to vector<8x1024xf32>
    %add3A_1403 = arith.addf %add3A_1401, %slice3A_1402 : vector<8x1024xf32>
    %lt3A_1404 = arith.cmpf olt, %add3A_1403, %select_n3A_1394 : vector<8x1024xf32>
    %select_n3A_1405 = arith.select %lt3A_1404, %add3A_1403, %select_n3A_1394 : vector<8x1024xi1>, vector<8x1024xf32>
    %jit3A_1406 = arith.constant 126 : i32
    %broadcast_in_dim3A_1407 = vector.broadcast %jit3A_1406 : i32 to vector<8x1024xi32>
    %select_n3A_1408 = arith.select %lt3A_1404, %broadcast_in_dim3A_1407, %select_n3A_1397 : vector<8x1024xi1>, vector<8x1024xi32>
    %slice3A_1409 = vector.extract_strided_slice %slice3A {offsets = [1016, 0], sizes = [8, 1], strides = [1, 1]} : vector<1024x1xf32> to vector<8x1xf32>
    %add3A_1410 = vector.broadcast %slice3A_1409 : vector<8x1xf32> to vector<8x1024xf32>
    %add3A_1411 = vector.broadcast %broadcast_in_dim3A : vector<1x1024xf32> to vector<8x1024xf32>
    %add3A_1412 = arith.addf %add3A_1410, %add3A_1411 : vector<8x1024xf32>
    %slice3A_1413 = vector.extract_strided_slice %dot_general3A_18 {offsets = [1016, 0], sizes = [8, 1024], strides = [1, 1]} : vector<1024x1024xf32> to vector<8x1024xf32>
    %add3A_1414 = arith.addf %add3A_1412, %slice3A_1413 : vector<8x1024xf32>
    %lt3A_1415 = arith.cmpf olt, %add3A_1414, %select_n3A_1405 : vector<8x1024xf32>
    %select_n3A_1416 = arith.select %lt3A_1415, %add3A_1414, %select_n3A_1405 : vector<8x1024xi1>, vector<8x1024xf32>
    %jit3A_1417 = arith.constant 127 : i32
    %broadcast_in_dim3A_1418 = vector.broadcast %jit3A_1417 : i32 to vector<8x1024xi32>
    %select_n3A_1419 = arith.select %lt3A_1415, %broadcast_in_dim3A_1418, %select_n3A_1408 : vector<8x1024xi1>, vector<8x1024xi32>
    %reduce_min3A = arith.constant dense<0x7F800000> : vector<1024xf32>
    %reduce_min3A_1420 = vector.multi_reduction <minimumf>, %select_n3A_1416, %reduce_min3A [0] : vector<8x1024xf32> to vector<1024xf32>
    %broadcast_in_dim3A_1421 = vector.shape_cast %reduce_min3A_1420 : vector<1024xf32> to vector<1x1024xf32>
    %iota3A = tpu.iota {dimensions = array<i32: 0>} : vector<8x1024xi32>
    %eq3A_1422 = vector.broadcast %broadcast_in_dim3A_1421 : vector<1x1024xf32> to vector<8x1024xf32>
    %eq3A_1423 = arith.cmpf oeq, %select_n3A_1416, %eq3A_1422 : vector<8x1024xf32>
    %mul3A_1424 = arith.constant 8 : i32
    %mul3A_1425 = vector.broadcast %mul3A_1424 : i32 to vector<8x1024xi32>
    %mul3A_1426 = arith.muli %select_n3A_1419, %mul3A_1425 : vector<8x1024xi32>
    %add3A_1427 = arith.addi %mul3A_1426, %iota3A : vector<8x1024xi32>
    %jit3A_1428 = arith.constant 1024 : i32
    %broadcast_in_dim3A_1429 = vector.broadcast %jit3A_1428 : i32 to vector<8x1024xi32>
    %select_n3A_1430 = arith.select %eq3A_1423, %add3A_1427, %broadcast_in_dim3A_1429 : vector<8x1024xi1>, vector<8x1024xi32>
    %reduce_min3A_1431 = arith.constant dense<2147483647> : vector<1024xi32>
    %reduce_min3A_1432 = vector.multi_reduction <minsi>, %select_n3A_1430, %reduce_min3A_1431 [0] : vector<8x1024xi32> to vector<1024xi32>
    %broadcast_in_dim3A_1433 = vector.shape_cast %reduce_min3A_1432 : vector<1024xi32> to vector<1x1024xi32>
    %squeeze3A = vector.shape_cast %broadcast_in_dim3A_1433 : vector<1x1024xi32> to vector<1024xi32>
    %swap3A = arith.constant 0 : index
    %swap3A_1434 = arith.constant 0 : index
    %swap3A_1435 = arith.constant 0 : index
    %swap3A_1436 = vector.load %arg4[%swap3A, %swap3A_1434, %swap3A_1435] : memref<1x1x1024xi32, #tpu.memory_space<vmem>>, vector<1x1x1024xi32>
    %swap3A_1437 = vector.shape_cast %swap3A_1436 : vector<1x1x1024xi32> to vector<1024xi32>
    %swap3A_1438 = vector.shape_cast %squeeze3A : vector<1024xi32> to vector<1x1x1024xi32>
    tpu.vector_store %arg4[%swap3A, %swap3A_1434, %swap3A_1435], %swap3A_1438 {strides = array<i32>} : memref<1x1x1024xi32, #tpu.memory_space<vmem>>, vector<1x1x1024xi32>,
    %get3A_1439 = arith.constant 0 : index
    %get3A_1440 = arith.constant 0 : index
    %get3A_1441 = vector.load %arg6[%get3A_1439, %get3A_1440] : memref<1x1024xf32, #tpu.memory_space<vmem>>, vector<1x1024xf32>
    %add3A_1442 = arith.addf %get3A_1441, %broadcast_in_dim3A_1421 : vector<1x1024xf32>
    %swap3A_1443 = arith.constant 0 : index
    %swap3A_1444 = arith.constant 0 : index
    %swap3A_1445 = vector.load %arg6[%swap3A_1443, %swap3A_1444] : memref<1x1024xf32, #tpu.memory_space<vmem>>, vector<1x1024xf32>
    tpu.vector_store %arg6[%swap3A_1443, %swap3A_1444], %add3A_1442 {strides = array<i32>} : memref<1x1024xf32, #tpu.memory_space<vmem>>, vector<1x1024xf32>,
    %eq3A_1446 = arith.constant 31 : i32
    %eq3A_1447 = arith.cmpi eq, %arg0, %eq3A_1446 : i32
    %convert_element_type3A_1448 = arith.extui %eq3A_1447 : i1 to i32
    %cond3A_1449 = arith.constant 0 : i32
    %cond3A_1450 = arith.cmpi ne, %convert_element_type3A_1448, %cond3A_1449 : i32
    scf.if %cond3A_1450 {
      %get3A_1451 = arith.constant 0 : index
      %get3A_1452 = arith.constant 0 : index
      %get3A_1453 = vector.load %arg6[%get3A_1451, %get3A_1452] : memref<1x1024xf32, #tpu.memory_space<vmem>>, vector<1x1024xf32>
      %reduce_sum3A_1454 = vector.shape_cast %get3A_1453 : vector<1x1024xf32> to vector<1x1x1024xf32>
      %reduce_sum3A_1455 = arith.constant dense<0.000000e+00> : vector<1xf32>
      %reduce_sum3A_1456 = vector.multi_reduction <add>, %reduce_sum3A_1454, %reduce_sum3A_1455 [1, 2] : vector<1x1x1024xf32> to vector<1xf32>
      %reduce_sum3A_1457 = vector.shape_cast %reduce_sum3A_1456 : vector<1xf32> to vector<1x1x1xf32>
      %reduce_sum3A_1458 = vector.extract %reduce_sum3A_1457[0, 0, 0] : f32 from vector<1x1x1xf32>
      %div3A = arith.constant 3.276800e+04 : f32
      %div3A_1459 = arith.divf %reduce_sum3A_1458, %div3A : f32
      %iota3A_1460 = tpu.iota {dimensions = array<i32: 1>} : vector<1x8xi32>
      %eq3A_1461 = arith.constant 0 : i32
      %eq3A_1462 = vector.broadcast %eq3A_1461 : i32 to vector<1x8xi32>
      %eq3A_1463 = arith.cmpi eq, %iota3A_1460, %eq3A_1462 : vector<1x8xi32>
      %mul3A_1464 = arith.constant 1.250000e+00 : f32
      %mul3A_1465 = arith.mulf %mul3A_1464, %div3A_1459 : f32
      %eq3A_1466 = arith.constant 4 : i32
      %eq3A_1467 = vector.broadcast %eq3A_1466 : i32 to vector<1x8xi32>
      %eq3A_1468 = arith.cmpi eq, %iota3A_1460, %eq3A_1467 : vector<1x8xi32>
      %jit3A_1469 = arith.constant 0.000000e+00 : f32
      %broadcast_in_dim3A_1470 = vector.broadcast %div3A_1459 : f32 to vector<1x8xf32>
      %broadcast_in_dim3A_1471 = vector.broadcast %jit3A_1469 : f32 to vector<1x8xf32>
      %select_n3A_1472 = arith.select %eq3A_1468, %broadcast_in_dim3A_1470, %broadcast_in_dim3A_1471 : vector<1x8xi1>, vector<1x8xf32>
      %broadcast_in_dim3A_1473 = vector.broadcast %mul3A_1465 : f32 to vector<1x8xf32>
      %select_n3A_1474 = arith.select %eq3A_1463, %broadcast_in_dim3A_1473, %select_n3A_1472 : vector<1x8xi1>, vector<1x8xf32>
      %swap3A_1475 = arith.constant 0 : index
      %swap3A_1476 = arith.constant 0 : index
      %swap3A_1477 = vector.load %arg5[%swap3A_1475, %swap3A_1476] : memref<1x8xf32, #tpu.memory_space<vmem>>, vector<1x8xf32>
      tpu.vector_store %arg5[%swap3A_1475, %swap3A_1476], %select_n3A_1474 {strides = array<i32>} : memref<1x8xf32, #tpu.memory_space<vmem>>, vector<1x8xf32>,
    } else {
    }
    return
  }
  func.func @transform_0(%arg0: i32) -> (i32, i32, i32) {
    %c0_i32 = arith.constant 0 : i32
    %c0_i32_0 = arith.constant 0 : i32
    %c0_i32_1 = arith.constant 0 : i32
    return %arg0, %c0_i32, %c0_i32_0 : i32, i32, i32
  }
  func.func @transform_1(%arg0: i32) -> (i32, i32) {
    %c0_i32 = arith.constant 0 : i32
    %c0_i32_0 = arith.constant 0 : i32
    %c0_i32_1 = arith.constant 0 : i32
    return %c0_i32, %c0_i32_0 : i32, i32
  }
  func.func @transform_2(%arg0: i32) -> (i32, i32) {
    %c0_i32 = arith.constant 0 : i32
    %c0_i32_0 = arith.constant 0 : i32
    %c0_i32_1 = arith.constant 0 : i32
    return %c0_i32, %c0_i32_0 : i32, i32
  }
  func.func @transform_3(%arg0: i32) -> (i32, i32, i32) {
    %c0_i32 = arith.constant 0 : i32
    %c0_i32_0 = arith.constant 0 : i32
    %c0_i32_1 = arith.constant 0 : i32
    return %arg0, %c0_i32, %c0_i32_0 : i32, i32, i32
  }
  func.func @transform_4(%arg0: i32) -> (i32, i32) {
    %c0_i32 = arith.constant 0 : i32
    %c0_i32_0 = arith.constant 0 : i32
    %c0_i32_1 = arith.constant 0 : i32
    return %c0_i32, %c0_i32_0 : i32, i32
  }
}

module attributes {stable_mosaic.version = 14 : i64} {
  func.func @_fin_kernel(%arg0: memref<32x1024xf32, #tpu.memory_space<vmem>>, %arg1: memref<1x8xf32, #tpu.memory_space<vmem>>, %arg2: memref<1x8xf32, #tpu.memory_space<vmem>>) attributes {dimension_semantics = [], scalar_prefetch = 0 : i64, scratch_operands = 0 : i64, tpu.core_type = #tpu.core_type<tc>} {
    %get3A = arith.constant 0 : index
    %get3A_0 = arith.constant 0 : index
    %get3A_1 = vector.load %arg0[%get3A, %get3A_0] : memref<32x1024xf32, #tpu.memory_space<vmem>>, vector<32x1024xf32>
    %reduce_sum3A = arith.constant dense<0.000000e+00> : vector<1024xf32>
    %reduce_sum3A_2 = vector.multi_reduction <add>, %get3A_1, %reduce_sum3A [0] : vector<32x1024xf32> to vector<1024xf32>
    %broadcast_in_dim3A = vector.shape_cast %reduce_sum3A_2 : vector<1024xf32> to vector<1x1024xf32>
    %div3A = arith.constant 3.276800e+04 : f32
    %div3A_3 = vector.broadcast %div3A : f32 to vector<1x1024xf32>
    %div3A_4 = arith.divf %broadcast_in_dim3A, %div3A_3 : vector<1x1024xf32>
    %gt3A = arith.constant 0.000000e+00 : f32
    %gt3A_5 = vector.broadcast %gt3A : f32 to vector<1x1024xf32>
    %gt3A_6 = arith.cmpf ogt, %div3A_4, %gt3A_5 : vector<1x1024xf32>
    %gt3A_7 = arith.constant 0.000000e+00 : f32
    %gt3A_8 = vector.broadcast %gt3A_7 : f32 to vector<1x1024xf32>
    %gt3A_9 = arith.cmpf ogt, %div3A_4, %gt3A_8 : vector<1x1024xf32>
    %jit3A = arith.constant 1.000000e+00 : f32
    %broadcast_in_dim3A_10 = vector.broadcast %jit3A : f32 to vector<1x1024xf32>
    %select_n3A = arith.select %gt3A_9, %div3A_4, %broadcast_in_dim3A_10 : vector<1x1024xi1>, vector<1x1024xf32>
    %log3A = math.log %select_n3A : vector<1x1024xf32>
    %mul3A = arith.mulf %div3A_4, %log3A : vector<1x1024xf32>
    %jit3A_11 = arith.constant 0.000000e+00 : f32
    %broadcast_in_dim3A_12 = vector.broadcast %jit3A_11 : f32 to vector<1x1024xf32>
    %select_n3A_13 = arith.select %gt3A_6, %mul3A, %broadcast_in_dim3A_12 : vector<1x1024xi1>, vector<1x1024xf32>
    %reduce_sum3A_14 = vector.shape_cast %select_n3A_13 : vector<1x1024xf32> to vector<1x1x1024xf32>
    %reduce_sum3A_15 = arith.constant dense<0.000000e+00> : vector<1xf32>
    %reduce_sum3A_16 = vector.multi_reduction <add>, %reduce_sum3A_14, %reduce_sum3A_15 [1, 2] : vector<1x1x1024xf32> to vector<1xf32>
    %reduce_sum3A_17 = vector.shape_cast %reduce_sum3A_16 : vector<1xf32> to vector<1x1x1xf32>
    %reduce_sum3A_18 = vector.extract %reduce_sum3A_17[0, 0, 0] : f32 from vector<1x1x1xf32>
    %neg3A = arith.constant 0.000000e+00 : f32
    %neg3A_19 = arith.subf %neg3A, %reduce_sum3A_18 : f32
    %exp3A = math.exp %neg3A_19 : f32
    %gt3A_20 = arith.constant 0.000000e+00 : f32
    %gt3A_21 = vector.broadcast %gt3A_20 : f32 to vector<1x1024xf32>
    %gt3A_22 = arith.cmpf ogt, %broadcast_in_dim3A, %gt3A_21 : vector<1x1024xf32>
    %convert_element_type3A = arith.extui %gt3A_22 : vector<1x1024xi1> to vector<1x1024xi32>
    %convert_element_type3A_23 = arith.sitofp %convert_element_type3A : vector<1x1024xi32> to vector<1x1024xf32>
    %reduce_sum3A_24 = vector.shape_cast %convert_element_type3A_23 : vector<1x1024xf32> to vector<1x1x1024xf32>
    %reduce_sum3A_25 = arith.constant dense<0.000000e+00> : vector<1xf32>
    %reduce_sum3A_26 = vector.multi_reduction <add>, %reduce_sum3A_24, %reduce_sum3A_25 [1, 2] : vector<1x1x1024xf32> to vector<1xf32>
    %reduce_sum3A_27 = vector.shape_cast %reduce_sum3A_26 : vector<1xf32> to vector<1x1x1xf32>
    %reduce_sum3A_28 = vector.extract %reduce_sum3A_27[0, 0, 0] : f32 from vector<1x1x1xf32>
    %iota3A = tpu.iota {dimensions = array<i32: 1>} : vector<1x8xi32>
    %eq3A = arith.constant 1 : i32
    %eq3A_29 = vector.broadcast %eq3A : i32 to vector<1x8xi32>
    %eq3A_30 = arith.cmpi eq, %iota3A, %eq3A_29 : vector<1x8xi32>
    %eq3A_31 = arith.constant 2 : i32
    %eq3A_32 = vector.broadcast %eq3A_31 : i32 to vector<1x8xi32>
    %eq3A_33 = arith.cmpi eq, %iota3A, %eq3A_32 : vector<1x8xi32>
    %eq3A_34 = arith.constant 3 : i32
    %eq3A_35 = vector.broadcast %eq3A_34 : i32 to vector<1x8xi32>
    %eq3A_36 = arith.cmpi eq, %iota3A, %eq3A_35 : vector<1x8xi32>
    %div3A_37 = arith.constant 1.024000e+03 : f32
    %div3A_38 = arith.divf %reduce_sum3A_28, %div3A_37 : f32
    %get3A_39 = arith.constant 0 : index
    %get3A_40 = arith.constant 0 : index
    %get3A_41 = vector.load %arg1[%get3A_39, %get3A_40] : memref<1x8xf32, #tpu.memory_space<vmem>>, vector<1x8xf32>
    %broadcast_in_dim3A_42 = vector.broadcast %div3A_38 : f32 to vector<1x8xf32>
    %select_n3A_43 = arith.select %eq3A_36, %broadcast_in_dim3A_42, %get3A_41 : vector<1x8xi1>, vector<1x8xf32>
    %broadcast_in_dim3A_44 = vector.broadcast %reduce_sum3A_28 : f32 to vector<1x8xf32>
    %select_n3A_45 = arith.select %eq3A_33, %broadcast_in_dim3A_44, %select_n3A_43 : vector<1x8xi1>, vector<1x8xf32>
    %broadcast_in_dim3A_46 = vector.broadcast %exp3A : f32 to vector<1x8xf32>
    %select_n3A_47 = arith.select %eq3A_30, %broadcast_in_dim3A_46, %select_n3A_45 : vector<1x8xi1>, vector<1x8xf32>
    %swap3A = arith.constant 0 : index
    %swap3A_48 = arith.constant 0 : index
    %swap3A_49 = vector.load %arg2[%swap3A, %swap3A_48] : memref<1x8xf32, #tpu.memory_space<vmem>>, vector<1x8xf32>
    tpu.vector_store %arg2[%swap3A, %swap3A_48], %select_n3A_47 {strides = array<i32>} : memref<1x8xf32, #tpu.memory_space<vmem>>, vector<1x8xf32>,
    return
  }
}

</mosaic_0001>

<sc_bundles>
// kernel: _vq.5.cloned.1.call-start
scs
__scs_entry_jumppad:
0x0: {  	(pc) =	sbr.rel $0x88, $3  }
0x1: {  	(tag) =	ssettag $0x0;
	lr =	simm.s32 $0x1  }
0x2: {  	[smem:$0x3F9E] =	sst lr;
	_ =	strace $0xD0000000  }
0x3: {  	_ = 	snop  }
0x4: {  	_ = 	snop  }
0x5: {  	_ = 	snop  }
0x6: {  	_ = 	snop  }
0x7: {  	_ = 	snop  }
__scs_overlays_trampoline_lowered:
0x8: {  	[smem:$0x3FAD] =	sst s0  }
0x9: {  	[smem:$0x3FAE] =	sst s1  }
0xa: {  	[smem:$0x3FAF] =	sst s2  }
0xb: {  	[smem:$0x3FB0] =	sst s3  }
0xc: {  	[smem:$0x3FB1] =	sst s4  }
0xd: {  	[smem:$0x3FB2] =	sst s5  }
0xe: {  	[smem:$0x3FB3] =	sst s6  }
0xf: {  	[smem:$0x3FB4] =	sst s7  }
0x10: {  	[smem:$0x3FB5] =	sst s8  }
0x11: {  	[smem:$0x3FB6] =	sst s9;
	s0 =	simm.s32 @!p0 $0x0  }
0x12: {  	s1 =	sld [smem:$0x3F9C];
	s0 =	simm.s32 @p0 $0x1  }
0x13: {  	[smem:$0x3FB7] =	sst s0;
	s0 =	simm.s32 @!p1 $0x0  }
0x14: {  	s2 =	sld [smem:$0x3F9B];
	s0 =	simm.s32 @p1 $0x1  }
0x15: {  	[smem:$0x3FB8] =	sst s0;
	s0 =	simm.s32 @!p2 $0x0  }
0x16: {  	s3 =	sld [smem:$0x3FDB];
	s0 =	simm.s32 @p2 $0x1  }
0x17: {  	s4 =	simm.s32 $0x1BF5;
	[smem:$0x3FBA] =	sst s0  }
0x18: {  	s0 =	sld [smem:$0x3F9D];
	_ =	swait.ge [sflag:s4], $0x0  }
0x19: {  	s7 =	sld [smem:$0x3F9E]  }
0x1a: {  	s8 =	sadd.s32 $0xFFFFE003, lr  }
0x1b: {  	s9 =	sadd.s32 $0xFFFFFEF7, lr;
	s5 =	simm.s32 $0xFFFFFFFF;
	p2 =	slt.u32 s8, $0xFFFFF086  }
0x1c: {  	p1 =	slt.u32 s9, $0xF7A;
	s5 =	simm.s32 @!p2 $0x0  }
0x1d: {  	s5 =	simm.s32 @p1 $0x1;
	p0 =	seq.s32 s7, s2  }
0x1e: {  	s7 =	smul.u32 @!p0 $0xF7A, s2;
	p2 =	seq.s32 @!p0 s5, $0x0  }
0x1f: {  	s9 =	smul.u32 $0xF7A, s1;
	s8 =	simm.s32 @!p0 $0x1BF5;
	p2 =	por !p2, p0  }
0x20: {  	[sflag:s8] =	ssyncset.s32 @!p0 $0xFFFFF086;
	s6 =	sadd.s32 @!p0 s3, s7;
	s7 =	simm.s32 @!p0 $0x108  }
0x21: {  	s3 =	sadd.s32 s3, s9;
	s6 =	sadd.s32 @!p0 $0x88, s6;
	s7 =	simm.s32 @p2 $0x1082  }
0x22: {  	[simem:s7], [sflag:s8] =	dma.local @!p0 [hbm:s6], $0xF7A  }
0x23: {  	s9 =	sor.u32 $0xD0000000, s2;
	s6 =	simm.s32 $0x108;
	_ =	swait.ge @!p0 [sflag:s8], $0x0  }
0x24: {  	s3 =	sadd.s32 $0x88, s3;
	s6 =	simm.s32 @!p1 $0x1082;
	[sflag:s4] =	ssyncset.s32 $0xFFFFF086  }
0x25: {  	[simem:s6], [sflag:s4] =	dma.local [hbm:s3], $0xF7A  }
0x26: {  	[smem:$0x3F9E] =	sst s1;
	(tag) =	ssettag s2;
	_ =	strace s9  }
0x27: {  	s1 =	sld [smem:$0x3FAE]  }
0x28: {  	s2 =	sld [smem:$0x3FAF]  }
0x29: {  	s4 =	sld [smem:$0x3FB1]  }
0x2a: {  	p0 =	seq.s32 s5, $0x0;
	s5 =	sld [smem:$0x3FB2]  }
0x2b: {  	s6 =	sld [smem:$0x3FB3]  }
0x2c: {  	s7 =	sld [smem:$0x3FB4]  }
0x2d: {  	s3 =	simm.s32 $0x108;
	s8 =	sld [smem:$0x3FB5]  }
0x2e: {  	s3 =	simm.s32 @!p0 $0x1082;
	s9 =	sld [smem:$0x3FB6]  }
0x2f: {  	lr =	sadd.s32 s0, s3;
	s0 =	sld [smem:$0x3FAD]  }
0x30: {  	s3 =	sld [smem:$0x3FB0]  }
0x31: {  	[smem:$0x3FB9] =	sst s10  }
0x32: {  	s10 =	sld [smem:$0x3FB7];
	_ =	sdelay $0x3  }
0x33: {  	p0 =	seq.s32 s10, $0x1;
	s10 =	sld [smem:$0x3FB9];
	_ =	sdelay $0x3  }
0x34: {  	[smem:$0x3FB9] =	sst s10  }
0x35: {  	s10 =	sld [smem:$0x3FB8];
	_ =	sdelay $0x3  }
0x36: {  	p1 =	seq.s32 s10, $0x1;
	s10 =	sld [smem:$0x3FB9];
	_ =	sdelay $0x3  }
0x37: {  	[smem:$0x3FB9] =	sst s10  }
0x38: {  	s10 =	sld [smem:$0x3FBA]  }
0x39: {  	_ = 	snop;
	(pc) =	sbr.ind lr, $3  }
0x3a: {  	_ = 	snop  }
0x3b: {  	_ = 	snop  }
0x3c: {  	p2 =	seq.s32 s10, $0x1;
	s10 =	sld [smem:$0x3FB9]  }
0x3d: {  	_ =	shalt  }
0x3e: {  	_ =	shalt  }
0x3f: {  	_ =	shalt  }
0x40: {  	_ =	shalt  }
0x41: {  	_ =	shalt  }
0x42: {  	_ =	shalt  }
0x43: {  	_ =	shalt  }
0x44: {  	_ =	shalt  }
0x45: {  	_ =	shalt  }
0x46: {  	_ =	shalt  }
0x47: {  	_ =	shalt  }
0x48: {  	_ =	shalt  }
0x49: {  	_ =	shalt  }
0x4a: {  	_ =	shalt  }
0x4b: {  	_ =	shalt  }
0x4c: {  	_ =	shalt  }
0x4d: {  	_ =	shalt  }
0x4e: {  	_ =	shalt  }
0x4f: {  	_ =	shalt  }
0x50: {  	_ =	shalt  }
0x51: {  	_ =	shalt  }
0x52: {  	_ =	shalt  }
0x53: {  	_ =	shalt  }
0x54: {  	_ =	shalt  }
0x55: {  	_ =	shalt  }
0x56: {  	_ =	shalt  }
0x57: {  	_ =	shalt  }
0x58: {  	_ =	shalt  }
0x59: {  	_ =	shalt  }
0x5a: {  	_ =	shalt  }
0x5b: {  	_ =	shalt  }
0x5c: {  	_ =	shalt  }
0x5d: {  	_ =	shalt  }
0x5e: {  	_ =	shalt  }
0x5f: {  	_ =	shalt  }
0x60: {  	_ =	shalt  }
0x61: {  	_ =	shalt  }
0x62: {  	_ =	shalt  }
0x63: {  	_ =	shalt  }
0x64: {  	_ =	shalt  }
0x65: {  	_ =	shalt  }
0x66: {  	_ =	shalt  }
0x67: {  	_ =	shalt  }
0x68: {  	_ =	shalt  }
0x69: {  	_ =	shalt  }
0x6a: {  	_ =	shalt  }
0x6b: {  	_ =	shalt  }
0x6c: {  	_ =	shalt  }
0x6d: {  	_ =	shalt  }
0x6e: {  	_ =	shalt  }
0x6f: {  	_ =	shalt  }
0x70: {  	_ =	shalt  }
0x71: {  	_ =	shalt  }
0x72: {  	_ =	shalt  }
0x73: {  	_ =	shalt  }
0x74: {  	_ =	shalt  }
0x75: {  	_ =	shalt  }
0x76: {  	_ =	shalt  }
0x77: {  	_ =	shalt  }
0x78: {  	_ =	shalt  }
0x79: {  	_ =	shalt  }
0x7a: {  	_ =	shalt  }
0x7b: {  	_ =	shalt  }
0x7c: {  	_ =	shalt  }
0x7d: {  	_ =	shalt  }
0x7e: {  	_ =	shalt  }
0x7f: {  	_ =	shalt  }
0x80: {  	_ =	shalt  }
0x81: {  	_ =	shalt  }
0x82: {  	_ =	shalt  }
0x83: {  	_ =	shalt  }
0x84: {  	_ =	shalt  }
0x85: {  	_ =	shalt  }
0x86: {  	_ =	shalt  }
0x87: {  	_ =	shalt  }
.Lfunc_end0:
.L_simem_size_0:
called_computation_lowered:
.L_overlay_start_0:
0x88: {  	s2 =	sld [smem:$0x3FD9]  }
0x89: {  	s3 =	sld [smem:$0x3FFE];
	_ =	sdelay $0x1  }
0x8a: {  	s1 =	srdreg.scid  }
0x8b: {  	s0 =	sand.u32 $0x1, s1  }
0x8c: {  	s14 =	sshll.u32 s0, $0xA;
	s2 =	sadd.s32 s3, s2  }
0x8d: {  	s2 =	sadd.s32 s2, s14  }
0x8e: {  	[smem:$0x3FC5] =	sst s2  }
0x8f: {  	_ = 	snop  }
0x90: {  	s2 =	sld [smem:$0x3FD0];
	_ =	sdelay $0x2  }
0x91: {  	s15 =	simm.s32 $0xA;
	s4 =	simm.s32 $0x10  }
0x92: {  	[smem:s4], [sflag:s15] =	dma.local [hbm:s2], $0x1  }
0x93: {  	_ =	swait.eq [sflag:s15], $0x1  }
0x94: {  	[sflag:s15] =	ssyncset.done $0x0  }
0x95: {  	s16 =	sld [smem:$0x10];
	[sflag:s15] =	ssyncadd.s32 $0xFFFFFFFF  }
0x96: {  	s17 =	sld [smem:$0x11];
	(tm) =	ssettm $0x1  }
0x97: {  	s18 =	sld [smem:$0x3FFB];
	_ =	sdelay $0x3  }
0x98: {  	_ =	strace s18  }
0x99: {  	s4 =	sld [smem:$0x3FFC];
	_ =	sdelay $0x3  }
0x9a: {  	_ =	strace s4  }
0x9b: {  	s4 =	sld [smem:$0x3FFD];
	_ =	sdelay $0x3  }
0x9c: {  	_ =	strace s4  }
0x9d: {  	_ =	strace $0x8FFFFFFF  }
0x9e: {  	s19 =	sld [smem:$0x3FDB];
	_ =	sdelay $0x1  }
0x9f: {  	s5 =	simm.s32 $_scs_section_size  }
0xa0: {  	s6 =	simm.s32 $_size__tile_overlayer_lowered;
	s7 =	simm.s32 $_tile_overlayer_lowered  }
0xa1: {  	s22 =	simm.s32 $0x1BFF;
	s21 =	sshll.u32 s7, $0x1;
	s4 =	sadd.s32 s5, s19  }
0xa2: {  	s8 =	simm.s32 $0x0;
	s20 =	sshll.u32 s6, $0x1;
	s6 =	sadd.s32 s21, s4  }
0xa3: {  	[timem:s8], [sflag:s22] =	dma.local [hbm:s6], s20  }
0xa4: {  	_ =	swait.ge [sflag:s22], s20  }
0xa5: {  	s5 =	ssub.s32 $0x0, s20;
	[sflag:s22] =	ssyncset.done $0x0  }
0xa6: {  	[sflag:s22] =	ssyncadd.s32 s5;
	_ =	sdelay $0x1  }
0xa7: {  	s23 =	simm.s32 $0x1B8B  }
0xa8: {  	_ =	swait.ge [sflag:s23], $0x1  }
0xa9: {  	[sflag:s23] =	ssyncset.done $0x0  }
0xaa: {  	s25 =	simm.s32 $0x1B8E;
	s24 =	sld [smem:$0x3FFE];
	[sflag:s23] =	ssyncadd.s32 $0xFFFFFFFF  }
0xab: {  	s26 =	simm.s32 $execute0_lowered;
	[smem:$0x3FD2] =	sst s25  }
0xac: {  	s6 =	sshll.u32 s26, $0x1;
	_ =	strace $0x80000046;
	[dreg:$0x1] =	wrdreg $0xFFFFFFFF  }
0xad: {  	s28 =	simm.s32 $_size_execute0_lowered;
	s4 =	sadd.s32 s4, s6;
	[dreg:$0x0] =	wrdreg $0x0  }
0xae: {  	s6 =	sshll.u32 s28, $0x1;
	[dreg:$0x2] =	wrdreg s4  }
0xaf: {  	[dreg:$0x3] =	wrdreg s6  }
0xb0: {  	[dreg:$0x4] =	wrdreg $0xC0  }
0xb1: {  	_ =	task [dreg:s8], $0x5FFFF  }
0xb2: {  	[dreg:$0x1] =	wrdreg $0xFFFFFFFF  }
0xb3: {  	[dreg:$0x0] =	wrdreg $0x60  }
0xb4: {  	[dreg:$0x2] =	wrdreg s24  }
0xb5: {  	[dreg:$0x3] =	wrdreg s16  }
0xb6: {  	[dreg:$0x4] =	wrdreg s17  }
0xb7: {  	[dreg:$0x5] =	wrdreg $0x9  }
0xb8: {  	_ =	task.clear_ibuf [dreg:s8], $0x6FFFF;
	_ =	strace $0x90000046  }
0xb9: {  	s29 =	simm.s32 $0x9;
	_ =	strace $0x80000048  }
0xba: {  	_ =	swait.ge [sflag:s29], $0x1  }
0xbb: {  	[sflag:s29] =	ssyncadd.s32 $0xFFFFFFFF  }
0xbc: {  	_ =	strace $0x90000048  }
0xbd: {  	_ =	sfence  }
0xbe: {  	s30 =	sld [smem:$0x0];
	_ =	sdelay $0x2  }
0xbf: {  	s31 =	sshll.u32 s1, $0xD;
	s1 =	sshrl.u32 s1, $0x2  }
0xc0: {  	s3 =	sand.u32 $0x4000, s31;
	s1 =	sadd.s32 s1, s30  }
0xc1: {  	s0 =	sor.u32 s3, s0;
	s1 =	sshll.u32 s1, $0x11  }
0xc2: {  	s0 =	sor.u32 s1, s0  }
0xc3: {  	s0 =	sadd.s32 $0x8F2B, s0  }
0xc4: {  	[sflag:s0] =	ssyncadd.remote.s32 $0x1  }
0xc5: {  	_ =	sfence.sel $0xFFFF  }
0xc6: {  	[dreg:$0x0] =	wrdreg $0xFFFFFFFF;
	(pc) =	sbr.abs _section_cstart, $3  }
0xc7: {  	[dreg:$0x1] =	wrdreg $0xFFFFFFFF  }
0xc8: {  	_ =	task.clear_ibuf [dreg:s8], $0x2FFFF;
	_ =	strace $0x9FFFFFFF  }
0xc9: {  	(tm) =	ssettm $0x7FFFFFFF  }
tec
execute0_lowered:
.L_overlay_start_1:
0x0: {  	(tag) =	ssettag $0x1  }
0x1: {  	s4 =	rddreg [dreg:$0x0]  }
0x2: {  	s5 =	rddreg [dreg:$0x1]  }
0x3: {  	s6 =	rddreg [dreg:$0x2]  }
0x4: {  	s0 =	rddreg [dreg:$0x3];
	s3 =	srdreg.scid  }
0x5: {  	s2 =	simm.s32 $0x0;
	s1 =	stileid.u32;
	s12 =	simm.s32 $0x0  }
0x6: {  	s3 =	sand.u32 $0x1, s3;
	[smem:$0x7FF] =	sst s2;
	s7 =	sshll.u32 s1, $0xB  }
0x7: {  	s8 =	sshll.u32 s3, $0xA;
	_ =	strace $0x80000047;
	s31 =	ssub.s32 $0x2, s3  }
0x8: {  	s3 =	sadd.s32 $0xC00, s4;
	s7 =	sor.u32 s8, s7;
	s10 =	sshrl.u32 s31, $0x1  }
0x9: {  	s9 =	sshrl.u32 s7, $0x3;
	s8 =	ssub.s32 s31, s10;
	s7 =	sshll.u32 s7, $0x3  }
0xa: {  	s10 =	simm.s32 $0x10400;
	s11 =	sadd.s32 s9, s4;
	s4 =	sadd.s32 s5, s9  }
0xb: {  	s6 =	sadd.s32 s6, s7;
	s7 =	smax.u32 s8, $0x1;
	s8 =	simm.s32 $0x2  }
0xc: {  	v0 =	vimm.f32 $0.0e+00;
	v1 =	vimm.f32 $1.000000000e+00;
	s9 =	simm.s32 $0x400;
	s5 =	sadd.s32 $0x2C00, s11;
	s11 =	simm.s32 $0x1  }
.LBB2_1:
0xd: {  	[tilespmem:s2], [sflag:$0x2] =	stream.linear.gather [hbm4b:s4+s2], $0x400, $0x38;
	[tilespmem:$0x10800] =	vst v63  }
0xe: {  	_ =	swait.ge [sflag:s8], $0x400  }
0xf: {  	[sflag:s8] =	ssyncset.done $0x0  }
0x10: {  	s13 =	simm.s32 $0x0;
	[sflag:s8] =	ssyncadd.s32 $0xFFFFFC00  }
0x11: {  	[tilespmem:s9], [sflag:$0x1] =	stream.indirect.gather [hbm4b:s3+s9], $0x40, s2, s9, $0xb8;
	[tilespmem:$0x10800] =	vst v63  }
.LBB2_2:
0x12: {  	p0 =	sne.s32 s13, $0xFC0  }
.Ltmp0:
0x13: {  	_ = 	snop;
	(pc) =	sbr.rel @p0 .LBB2_2-.Ltmp0, $3  }
0x14: {  	_ =	sdelay $0x1  }
0x15: {  	s14 =	sshra.s32 s13, $0x2  }
0x16: {  	s13 =	sadd.s32 $0x40, s13;
	[tilespmem:s14+$0x10400] =	vst v0  }
0x17: {  	s14 =	simm.s32 $0x0;
	s13 =	simm.s32 $0x40  }
.LBB2_4:
0x18: {  	p0 =	sne.s32 s13, $0xFC0;
	v2 =	vld [tilespmem:s14+$0x0];
	_ =	sdelay $0x3  }
.Ltmp1:
0x19: {  	(pc) =	sbr.rel @p0 .LBB2_4-.Ltmp1, $2  }
0x1a: {  	_ =	sdelay $0x2  }
0x1b: {  	s14 =	sshra.s32 s13, $0x2;
	s13 =	sadd.s32 $0x40, s13;
	[tilespmem:v2+s10+$0x0] =	vst.idx.add.f32.msk $0xffff, v1  }
0x1c: {  	v2 =	vld [tilespmem:s14+$0x0];
	_ =	sdelay $0x7  }
0x1d: {  	[tilespmem:v2+s10+$0x0] =	vst.idx.add.f32.msk $0xffff, v1  }
0x1e: {  	[hbm4b:s5+s2] =	stream.linear.scatter [tilespmem:s10], [sflag:$0x2], $0x400, $0x38;
	[tilespmem:$0x10800] =	vst v63  }
0x1f: {  	_ =	swait.ge [sflag:s8], $0x400  }
0x20: {  	[sflag:s8] =	ssyncset.done $0x0  }
0x21: {  	[sflag:s8] =	ssyncadd.s32 $0xFFFFFC00  }
0x22: {  	s12 =	sadd.s32 $0x1, s12;
	_ =	swait.ge [sflag:s11], $0x10000  }
0x23: {  	p0 =	sne.s32 s12, s7;
	[sflag:s11] =	ssyncset.done $0x0  }
.Ltmp2:
0x24: {  	[sflag:s11] =	ssyncadd.s32 $0xFFFF0000;
	(pc) =	sbr.rel @p0 .LBB2_1-.Ltmp2, $4  }
0x25: {  	[hbm4b:s6+s2] =	stream.linear.scatter [tilespmem:s9], [sflag:$0x2], $0x10000, $0x38;
	[tilespmem:$0x10800] =	vst v63  }
0x26: {  	_ =	swait.ge [sflag:s8], $0x10000  }
0x27: {  	[sflag:s8] =	ssyncset.done $0x0  }
0x28: {  	[sflag:s8] =	ssyncadd.s32 $0xFFFF0000  }
0x29: {  	_ =	sfence.sel $0x180000  }
0x2a: {  	[bflag:$0x0] =	sbarrier.arrive $0xFFFF  }
0x2b: {  	p0 =	sne.s32 s1, $0x0;
	_ =	strace $0x90000047  }
0x2c: {  	s0 =	sadd.s32 @!p0 $0x100000, s0;
	[bflag:$0x2] =	sbarrier.arrive $0xFFFF  }
0x2d: {  	[sflag:s0] =	ssyncadd.tile.s32 @!p0 $0x1;
	_ =	shalt  }
.Lfunc_end2:
_tile_overlayer_lowered:
.L_overlay_start_2:
0x2e: {  	(tag) =	ssettag $0x2  }
0x2f: {  	s0 =	rddreg [dreg:$0x0];
	s2 =	stileid.u32  }
0x30: {  	s1 =	rddreg [dreg:$0x1];
	p0 =	sne.s32 s2, $0x0  }
0x31: {  	s3 =	rddreg [dreg:$0x2];
	[bflag:$0x3] =	sbarrier.arrive $0xFFFF;
	s2 =	simm.s32 @!p0 $0x1C02  }
0x32: {  	[timem:s3], [sflag:s2] =	dma.local @!p0 [hbm:s0], s1  }
0x33: {  	s0 =	simm.s32 @!p0 $0x2  }
0x34: {  	_ =	swait.ge @!p0 [sflag:s0], s1  }
0x35: {  	s1 =	ssub.s32 @!p0 $0x0, s1;
	[sflag:s0] =	ssyncset.done @!p0 $0x0  }
0x36: {  	[sflag:s0] =	ssyncadd.s32 @!p0 s1  }
0x37: {  	[bflag:$0x3] =	sbarrier.arrive $0xFFFF  }
0x38: {  	_ =	shalt  }

</sc_bundles>
